<compile_context>
chip_gen: v7x
topology: tpu7x:2x2x1
jax: 0.10.2.dev20260603
libtpu: 0.0.44.dev20260713+nightly
codegen_flags: <defaults>
</compile_context>

<pallas_src>
import functools

import jax
import jax.numpy as jnp
from jax import lax
from jax.experimental import pallas as pl
from jax.experimental.pallas import tpu as pltpu
from jax.experimental.pallas import tpu_sc as plsc

VOCAB = 49408
D = 512
NCTX = 4
C = 1000
L = 77
HDR = 1 + NCTX
ROWS = HDR + L
RPAD = 88

NUM_CORES = 2
NUM_SUBCORES = 16
NW = NUM_CORES * NUM_SUBCORES
CPW = (C + NW - 1) // NW
C_PAD = NW * CPW


def _sc_body(table_hbm, aux_hbm, idx_hbm, out_hbm, idx_v, buf0, buf1,
             sem0a, sem0b, sem1a, sem1b):
    w = lax.axis_index("s") * NUM_CORES + lax.axis_index("c")
    c0 = w * CPW
    n_my = jnp.minimum(CPW, C - c0)

    pltpu.sync_copy(idx_hbm.at[pl.ds(c0, CPW)], idx_v)

    H1 = 48
    H2 = RPAD - H1

    def gather(i, buf, sems):
        idx_row = idx_v.at[i, 0]
        pltpu.async_copy(
            table_hbm.at[idx_row.at[pl.ds(0, H1)]], buf.at[pl.ds(0, H1)], sems[0])
        pltpu.async_copy(
            table_hbm.at[idx_row.at[pl.ds(H1, H2)]], buf.at[pl.ds(H1, H2)], sems[1])

    def wait(buf, sems):
        idx_row = idx_v.at[0, 0]
        pltpu.make_async_copy(
            table_hbm.at[idx_row.at[pl.ds(0, H1)]], buf.at[pl.ds(0, H1)], sems[0]).wait()
        pltpu.make_async_copy(
            table_hbm.at[idx_row.at[pl.ds(H1, H2)]], buf.at[pl.ds(H1, H2)], sems[1]).wait()

    def finish(i, buf):
        pltpu.sync_copy(aux_hbm, buf.at[pl.ds(0, HDR)])
        out_c = out_hbm.at[c0 + i]
        pltpu.sync_copy(buf.at[pl.ds(0, 80)], out_c.at[pl.ds(0, 80)])
        pltpu.sync_copy(buf.at[pl.ds(80, 2)], out_c.at[pl.ds(80, 2)])

    gather(0, buf0, (sem0a, sem0b))

    def outer(j, carry):
        i0 = 2 * j
        gather(i0 + 1, buf1, (sem1a, sem1b))
        wait(buf0, (sem0a, sem0b))
        finish(i0, buf0)

        @pl.when(i0 + 2 < n_my)
        def _():
            gather(i0 + 2, buf0, (sem0a, sem0b))

        wait(buf1, (sem1a, sem1b))
        finish(i0 + 1, buf1)
        return carry

    lax.fori_loop(0, n_my // 2, outer, 0)


@jax.jit
def kernel(token_embedding, ctx, class_tokens):
    ct = class_tokens.astype(jnp.int32)
    idx_full = jnp.pad(ct, ((0, C_PAD - C), (HDR, RPAD - ROWS)))
    idx_full = idx_full.reshape(C_PAD, 1, RPAD)
    aux = jnp.concatenate([token_embedding[:1], ctx], axis=0)
    mesh = plsc.VectorSubcoreMesh(core_axis_name="c", subcore_axis_name="s")
    run = functools.partial(
        pl.kernel,
        mesh=mesh,
        out_type=jax.ShapeDtypeStruct((C, ROWS, D), jnp.float32),
        scratch_types=[
            pltpu.VMEM((CPW, 1, RPAD), jnp.int32),
            pltpu.VMEM((RPAD, D), jnp.float32),
            pltpu.VMEM((RPAD, D), jnp.float32),
            pltpu.SemaphoreType.DMA,
            pltpu.SemaphoreType.DMA,
            pltpu.SemaphoreType.DMA,
            pltpu.SemaphoreType.DMA,
        ],
    )(_sc_body)
    return run(token_embedding, aux, idx_full)

# --- scband reference (transcript-rebuilt; emitter-appended) ---
"""Pipeline reference for scband-prompt-learner-89713276879340 (READ-ONLY COPY).

The authoritative reference and input builder live on the scoring server;
editing this copy changes nothing except your own understanding.
"""

import jax, jax.numpy as jnp
import numpy as np

VOCAB = 49408
EMBED_DIM = 512
N_CTX = 4
NUM_CLASSES = 1000
TOK_LEN = 77


def setup_inputs(seed: int = 0) -> dict:
    key = jax.random.key(seed)
    k1, k2, k3 = jax.random.split(key, 3)
    token_embedding = jax.random.normal(k1, (VOCAB, EMBED_DIM), dtype=jnp.float32) * 0.02
    ctx = jax.random.normal(k2, (N_CTX, EMBED_DIM), dtype=jnp.float32) * 0.02
    class_tokens = jax.random.randint(k3, (NUM_CLASSES, TOK_LEN), 0, VOCAB, dtype=jnp.int64)
    return {"token_embedding": token_embedding, "ctx": ctx, "class_tokens": class_tokens}


def reference(token_embedding, ctx, class_tokens):
    # class_embeddings: embedding gather for every class's tokenized name
    class_emb = jnp.take(token_embedding, class_tokens, axis=0)  # [C, L, D]
    n_cls = class_tokens.shape[0]
    d = token_embedding.shape[1]
    # SOS token embedding (row 0), prepended per class
    sos = jnp.broadcast_to(token_embedding[0][None, None, :], (n_cls, 1, d))
    # learned context, shared across classes
    ctx_b = jnp.broadcast_to(ctx[None, :, :], (n_cls, ctx.shape[0], d))
    prompts = jnp.concatenate([sos, ctx_b, class_emb], axis=1)  # [C, 1+n_ctx+L, D]
    return prompts

if __name__ == "__main__":
    import jax
    _d = setup_inputs()
    print(jax.jit(kernel)(*tuple(_d.values())))

</pallas_src>

<mosaic_0001>
#map = affine_map<(d0, d1) -> (0, 0)>
#map1 = affine_map<(d0, d1) -> (0, 0, 0)>
module attributes {stable_mosaic.version = 14 : i64} {
  func.func @_sc_body(%arg0: i32, %arg1: i32, %arg2: memref<49408x512xf32, #tpu.memory_space<hbm>>, %arg3: memref<5x512xf32, #tpu.memory_space<hbm>>, %arg4: memref<1024x1x88xi32, #tpu.memory_space<hbm>>, %arg5: memref<1000x82x512xf32, #tpu.memory_space<hbm>>, %arg6: memref<32x1x88xi32, #tpu.memory_space<vmem>>, %arg7: memref<88x512xf32, #tpu.memory_space<vmem>>, %arg8: memref<88x512xf32, #tpu.memory_space<vmem>>, %arg9: memref<!tpu.dma_semaphore, #tpu.memory_space<semaphore_mem>>, %arg10: memref<!tpu.dma_semaphore, #tpu.memory_space<semaphore_mem>>, %arg11: memref<!tpu.dma_semaphore, #tpu.memory_space<semaphore_mem>>, %arg12: memref<!tpu.dma_semaphore, #tpu.memory_space<semaphore_mem>>) attributes {dimension_semantics = [#tpu.dimension_semantics<core_parallel>, #tpu.dimension_semantics<subcore_parallel>], iteration_bounds = array<i64: 2, 16>, scalar_prefetch = 0 : i64, scratch_operands = 7 : i64, tpu.core_type = #tpu.core_type<sc_vector_subcore>, window_params = [{transform_indices = #map}, {transform_indices = #map}, {transform_indices = #map1}, {transform_indices = #map1}]} {
    %mul3A = arith.constant 2 : i32
    %mul3A_0 = arith.muli %arg1, %mul3A : i32
    %add3A = arith.addi %mul3A_0, %arg0 : i32
    %mul3A_1 = arith.constant 32 : i32
    %mul3A_2 = arith.muli %add3A, %mul3A_1 : i32
    %sub3A = arith.constant 1000 : i32
    %sub3A_3 = arith.subi %sub3A, %mul3A_2 : i32
    %min3A = arith.constant 32 : i32
    %min3A_4 = arith.minsi %min3A, %sub3A_3 : i32
    "tpu.region"() ({
      %run_scoped3A = tpu.sem_alloc : memref<!tpu.dma_semaphore, #tpu.memory_space<semaphore_mem>>
      %dma_start3A_56 = arith.constant 0 : i32
      %dma_start3A_57 = arith.constant 0 : i32
      %dma_start3A_58 = tpu.memref_slice %arg4[%mul3A_2, %dma_start3A_56, %dma_start3A_57] : memref<1024x1x88xi32, #tpu.memory_space<hbm>> -> memref<32x1x88xi32, #tpu.memory_space<hbm>>
      %dma_start3A_59 = arith.constant 0 : i32
      %dma_start3A_60 = arith.constant 0 : i32
      %dma_start3A_61 = tpu.memref_slice %arg4[%mul3A_2, %dma_start3A_59, %dma_start3A_60] : memref<1024x1x88xi32, #tpu.memory_space<hbm>> -> memref<32x1x88xi32, #tpu.memory_space<hbm>>
      tpu.enqueue_dma source(%dma_start3A_61 : memref<32x1x88xi32, #tpu.memory_space<hbm>>) target(%arg6 : memref<32x1x88xi32, #tpu.memory_space<vmem>>) target_semaphore(%run_scoped3A : memref<!tpu.dma_semaphore, #tpu.memory_space<semaphore_mem>>)
      %dma_wait3A = arith.constant 0 : i32
      %dma_wait3A_62 = arith.constant 0 : i32
      %dma_wait3A_63 = tpu.memref_slice %arg4[%mul3A_2, %dma_wait3A, %dma_wait3A_62] : memref<1024x1x88xi32, #tpu.memory_space<hbm>> -> memref<32x1x88xi32, #tpu.memory_space<hbm>>
      %dma_wait3A_64 = arith.constant 0 : i32
      %dma_wait3A_65 = arith.constant 0 : i32
      %dma_wait3A_66 = tpu.memref_slice %arg4[%mul3A_2, %dma_wait3A_64, %dma_wait3A_65] : memref<1024x1x88xi32, #tpu.memory_space<hbm>> -> memref<32x1x88xi32, #tpu.memory_space<hbm>>
      tpu.wait_dma2 semaphore(%run_scoped3A : memref<!tpu.dma_semaphore, #tpu.memory_space<semaphore_mem>>) src(%dma_wait3A_66 : memref<32x1x88xi32, #tpu.memory_space<hbm>>) dst(%arg6 : memref<32x1x88xi32, #tpu.memory_space<vmem>>)
      tpu.yield
    }) : () -> ()
    %dma_start3A = arith.constant 0 : i32
    %dma_start3A_5 = arith.constant 0 : i32
    %dma_start3A_6 = arith.constant 0 : i32
    %dma_start3A_7 = arith.constant 0 : i32
    %dma_start3A_8 = tpu.memref_slice %arg7[%dma_start3A_6, %dma_start3A_7] : memref<88x512xf32, #tpu.memory_space<vmem>> -> memref<48x512xf32, #tpu.memory_space<vmem>>
    %dma_start3A_9 = arith.constant 0 : i32
    %dma_start3A_10 = tpu.memref_slice %arg6[%dma_start3A, %dma_start3A_5, %dma_start3A_9] : memref<32x1x88xi32, #tpu.memory_space<vmem>> -> memref<1x1x88xi32, #tpu.memory_space<vmem>>
    %dma_start3A_11 = tpu.memref_squeeze %dma_start3A_10 : memref<1x1x88xi32, #tpu.memory_space<vmem>> -> memref<88xi32, #tpu.memory_space<vmem>>
    %dma_start3A_12 = arith.constant 0 : i32
    %dma_start3A_13 = tpu.memref_slice %dma_start3A_11[%dma_start3A_12] : memref<88xi32, #tpu.memory_space<vmem>> -> memref<48xi32, #tpu.memory_space<vmem>>
    %dma_start3A_14 = arith.constant 0 : i32
    %dma_start3A_15 = arith.constant 0 : i32
    %dma_start3A_16 = tpu.memref_slice %arg2[%dma_start3A_14, %dma_start3A_15] : memref<49408x512xf32, #tpu.memory_space<hbm>> -> memref<49408x512xf32, #tpu.memory_space<hbm>>
    tpu.enqueue_indirect_dma source(%dma_start3A_16 : memref<49408x512xf32, #tpu.memory_space<hbm>>) target(%dma_start3A_8 : memref<48x512xf32, #tpu.memory_space<vmem>>) offsets(%dma_start3A_13 : memref<48xi32, #tpu.memory_space<vmem>>) semaphore(%arg9 : memref<!tpu.dma_semaphore, #tpu.memory_space<semaphore_mem>>)
    %dma_start3A_17 = arith.constant 0 : i32
    %dma_start3A_18 = arith.constant 0 : i32
    %dma_start3A_19 = arith.constant 48 : i32
    %dma_start3A_20 = arith.constant 0 : i32
    %dma_start3A_21 = tpu.memref_slice %arg7[%dma_start3A_19, %dma_start3A_20] : memref<88x512xf32, #tpu.memory_space<vmem>> -> memref<40x512xf32, #tpu.memory_space<vmem>>
    %dma_start3A_22 = arith.constant 0 : i32
    %dma_start3A_23 = tpu.memref_slice %arg6[%dma_start3A_17, %dma_start3A_18, %dma_start3A_22] : memref<32x1x88xi32, #tpu.memory_space<vmem>> -> memref<1x1x88xi32, #tpu.memory_space<vmem>>
    %dma_start3A_24 = tpu.memref_squeeze %dma_start3A_23 : memref<1x1x88xi32, #tpu.memory_space<vmem>> -> memref<88xi32, #tpu.memory_space<vmem>>
    %dma_start3A_25 = arith.constant 48 : i32
    %dma_start3A_26 = tpu.memref_slice %dma_start3A_24[%dma_start3A_25] : memref<88xi32, #tpu.memory_space<vmem>> -> memref<40xi32, #tpu.memory_space<vmem>>
    %dma_start3A_27 = arith.constant 0 : i32
    %dma_start3A_28 = arith.constant 0 : i32
    %dma_start3A_29 = tpu.memref_slice %arg2[%dma_start3A_27, %dma_start3A_28] : memref<49408x512xf32, #tpu.memory_space<hbm>> -> memref<49408x512xf32, #tpu.memory_space<hbm>>
    tpu.enqueue_indirect_dma source(%dma_start3A_29 : memref<49408x512xf32, #tpu.memory_space<hbm>>) target(%dma_start3A_21 : memref<40x512xf32, #tpu.memory_space<vmem>>) offsets(%dma_start3A_26 : memref<40xi32, #tpu.memory_space<vmem>>) semaphore(%arg10 : memref<!tpu.dma_semaphore, #tpu.memory_space<semaphore_mem>>)
    %jit3A = arith.constant 2 : i32
    %div3A = arith.divsi %min3A_4, %jit3A : i32
    %sign3A = arith.constant 0 : i32
    %sign3A_30 = arith.cmpi sgt, %min3A_4, %sign3A : i32
    %sign3A_31 = arith.extui %sign3A_30 : i1 to i32
    %sign3A_32 = arith.constant 0 : i32
    %sign3A_33 = arith.cmpi slt, %min3A_4, %sign3A_32 : i32
    %sign3A_34 = arith.extui %sign3A_33 : i1 to i32
    %sign3A_35 = arith.subi %sign3A_31, %sign3A_34 : i32
    %sign3A_36 = arith.constant 0 : i32
    %sign3A_37 = arith.cmpi sgt, %jit3A, %sign3A_36 : i32
    %sign3A_38 = arith.extui %sign3A_37 : i1 to i32
    %sign3A_39 = arith.constant 0 : i32
    %sign3A_40 = arith.cmpi slt, %jit3A, %sign3A_39 : i32
    %sign3A_41 = arith.extui %sign3A_40 : i1 to i32
    %sign3A_42 = arith.subi %sign3A_38, %sign3A_41 : i32
    %ne3A = arith.cmpi ne, %sign3A_35, %sign3A_42 : i32
    %rem3A = arith.remsi %min3A_4, %jit3A : i32
    %ne3A_43 = arith.constant 0 : i32
    %ne3A_44 = arith.cmpi ne, %rem3A, %ne3A_43 : i32
    %and3A = arith.andi %ne3A, %ne3A_44 : i1
    %sub3A_45 = arith.constant 1 : i32
    %sub3A_46 = arith.subi %div3A, %sub3A_45 : i32
    %select_n3A = arith.select %and3A, %sub3A_46, %div3A : i32
    %while3A = arith.constant 0 : i32
    %while3A_47 = arith.constant 0 : i32
    %while3A_48 = arith.subi %select_n3A, %while3A_47 : i32
    %while3A_49 = arith.addi %while3A_47, %while3A_48 : i32
    %while3A_50 = arith.constant 1 : i32
    %while3A_51 = arith.divsi %while3A_48, %while3A_50 : i32
    %while3A_52 = arith.muli %while3A_51, %while3A_50 : i32
    %while3A_53 = arith.addi %while3A_47, %while3A_52 : i32
    %while3A_54 = arith.constant 1 : i32
    scf.for %while3A_56 = %while3A_47 to %while3A_53 step %while3A_54  : i32 {
      %mul3A_57 = arith.constant 2 : i32
      %mul3A_58 = arith.muli %mul3A_57, %while3A_56 : i32
      %add3A_59 = arith.constant 1 : i32
      %add3A_60 = arith.addi %mul3A_58, %add3A_59 : i32
      %dma_start3A_61 = arith.constant 0 : i32
      %dma_start3A_62 = arith.constant 0 : i32
      %dma_start3A_63 = arith.constant 0 : i32
      %dma_start3A_64 = tpu.memref_slice %arg8[%dma_start3A_62, %dma_start3A_63] : memref<88x512xf32, #tpu.memory_space<vmem>> -> memref<48x512xf32, #tpu.memory_space<vmem>>
      %dma_start3A_65 = arith.constant 0 : i32
      %dma_start3A_66 = tpu.memref_slice %arg6[%add3A_60, %dma_start3A_61, %dma_start3A_65] : memref<32x1x88xi32, #tpu.memory_space<vmem>> -> memref<1x1x88xi32, #tpu.memory_space<vmem>>
      %dma_start3A_67 = tpu.memref_squeeze %dma_start3A_66 : memref<1x1x88xi32, #tpu.memory_space<vmem>> -> memref<88xi32, #tpu.memory_space<vmem>>
      %dma_start3A_68 = arith.constant 0 : i32
      %dma_start3A_69 = tpu.memref_slice %dma_start3A_67[%dma_start3A_68] : memref<88xi32, #tpu.memory_space<vmem>> -> memref<48xi32, #tpu.memory_space<vmem>>
      %dma_start3A_70 = arith.constant 0 : i32
      %dma_start3A_71 = arith.constant 0 : i32
      %dma_start3A_72 = tpu.memref_slice %arg2[%dma_start3A_70, %dma_start3A_71] : memref<49408x512xf32, #tpu.memory_space<hbm>> -> memref<49408x512xf32, #tpu.memory_space<hbm>>
      tpu.enqueue_indirect_dma source(%dma_start3A_72 : memref<49408x512xf32, #tpu.memory_space<hbm>>) target(%dma_start3A_64 : memref<48x512xf32, #tpu.memory_space<vmem>>) offsets(%dma_start3A_69 : memref<48xi32, #tpu.memory_space<vmem>>) semaphore(%arg11 : memref<!tpu.dma_semaphore, #tpu.memory_space<semaphore_mem>>)
      %dma_start3A_73 = arith.constant 0 : i32
      %dma_start3A_74 = arith.constant 48 : i32
      %dma_start3A_75 = arith.constant 0 : i32
      %dma_start3A_76 = tpu.memref_slice %arg8[%dma_start3A_74, %dma_start3A_75] : memref<88x512xf32, #tpu.memory_space<vmem>> -> memref<40x512xf32, #tpu.memory_space<vmem>>
      %dma_start3A_77 = arith.constant 0 : i32
      %dma_start3A_78 = tpu.memref_slice %arg6[%add3A_60, %dma_start3A_73, %dma_start3A_77] : memref<32x1x88xi32, #tpu.memory_space<vmem>> -> memref<1x1x88xi32, #tpu.memory_space<vmem>>
      %dma_start3A_79 = tpu.memref_squeeze %dma_start3A_78 : memref<1x1x88xi32, #tpu.memory_space<vmem>> -> memref<88xi32, #tpu.memory_space<vmem>>
      %dma_start3A_80 = arith.constant 48 : i32
      %dma_start3A_81 = tpu.memref_slice %dma_start3A_79[%dma_start3A_80] : memref<88xi32, #tpu.memory_space<vmem>> -> memref<40xi32, #tpu.memory_space<vmem>>
      %dma_start3A_82 = arith.constant 0 : i32
      %dma_start3A_83 = arith.constant 0 : i32
      %dma_start3A_84 = tpu.memref_slice %arg2[%dma_start3A_82, %dma_start3A_83] : memref<49408x512xf32, #tpu.memory_space<hbm>> -> memref<49408x512xf32, #tpu.memory_space<hbm>>
      tpu.enqueue_indirect_dma source(%dma_start3A_84 : memref<49408x512xf32, #tpu.memory_space<hbm>>) target(%dma_start3A_76 : memref<40x512xf32, #tpu.memory_space<vmem>>) offsets(%dma_start3A_81 : memref<40xi32, #tpu.memory_space<vmem>>) semaphore(%arg12 : memref<!tpu.dma_semaphore, #tpu.memory_space<semaphore_mem>>)
      %dma_wait3A = arith.constant 0 : i32
      %dma_wait3A_85 = arith.constant 0 : i32
      %dma_wait3A_86 = arith.constant 0 : i32
      %dma_wait3A_87 = arith.constant 0 : i32
      %dma_wait3A_88 = tpu.memref_slice %arg7[%dma_wait3A_86, %dma_wait3A_87] : memref<88x512xf32, #tpu.memory_space<vmem>> -> memref<48x512xf32, #tpu.memory_space<vmem>>
      %dma_wait3A_89 = arith.constant 0 : i32
      %dma_wait3A_90 = tpu.memref_slice %arg6[%dma_wait3A, %dma_wait3A_85, %dma_wait3A_89] : memref<32x1x88xi32, #tpu.memory_space<vmem>> -> memref<1x1x88xi32, #tpu.memory_space<vmem>>
      %dma_wait3A_91 = tpu.memref_squeeze %dma_wait3A_90 : memref<1x1x88xi32, #tpu.memory_space<vmem>> -> memref<88xi32, #tpu.memory_space<vmem>>
      %dma_wait3A_92 = arith.constant 0 : i32
      %dma_wait3A_93 = tpu.memref_slice %dma_wait3A_91[%dma_wait3A_92] : memref<88xi32, #tpu.memory_space<vmem>> -> memref<48xi32, #tpu.memory_space<vmem>>
      %dma_wait3A_94 = arith.constant 0 : i32
      %dma_wait3A_95 = arith.constant 0 : i32
      %dma_wait3A_96 = tpu.memref_slice %arg2[%dma_wait3A_94, %dma_wait3A_95] : memref<49408x512xf32, #tpu.memory_space<hbm>> -> memref<49408x512xf32, #tpu.memory_space<hbm>>
      tpu.wait_indirect_dma semaphore(%arg9 : memref<!tpu.dma_semaphore, #tpu.memory_space<semaphore_mem>>) src(%dma_wait3A_96 : memref<49408x512xf32, #tpu.memory_space<hbm>>) dst(%dma_wait3A_88 : memref<48x512xf32, #tpu.memory_space<vmem>>)
      %dma_wait3A_97 = arith.constant 0 : i32
      %dma_wait3A_98 = arith.constant 0 : i32
      %dma_wait3A_99 = arith.constant 48 : i32
      %dma_wait3A_100 = arith.constant 0 : i32
      %dma_wait3A_101 = tpu.memref_slice %arg7[%dma_wait3A_99, %dma_wait3A_100] : memref<88x512xf32, #tpu.memory_space<vmem>> -> memref<40x512xf32, #tpu.memory_space<vmem>>
      %dma_wait3A_102 = arith.constant 0 : i32
      %dma_wait3A_103 = tpu.memref_slice %arg6[%dma_wait3A_97, %dma_wait3A_98, %dma_wait3A_102] : memref<32x1x88xi32, #tpu.memory_space<vmem>> -> memref<1x1x88xi32, #tpu.memory_space<vmem>>
      %dma_wait3A_104 = tpu.memref_squeeze %dma_wait3A_103 : memref<1x1x88xi32, #tpu.memory_space<vmem>> -> memref<88xi32, #tpu.memory_space<vmem>>
      %dma_wait3A_105 = arith.constant 48 : i32
      %dma_wait3A_106 = tpu.memref_slice %dma_wait3A_104[%dma_wait3A_105] : memref<88xi32, #tpu.memory_space<vmem>> -> memref<40xi32, #tpu.memory_space<vmem>>
      %dma_wait3A_107 = arith.constant 0 : i32
      %dma_wait3A_108 = arith.constant 0 : i32
      %dma_wait3A_109 = tpu.memref_slice %arg2[%dma_wait3A_107, %dma_wait3A_108] : memref<49408x512xf32, #tpu.memory_space<hbm>> -> memref<49408x512xf32, #tpu.memory_space<hbm>>
      tpu.wait_indirect_dma semaphore(%arg10 : memref<!tpu.dma_semaphore, #tpu.memory_space<semaphore_mem>>) src(%dma_wait3A_109 : memref<49408x512xf32, #tpu.memory_space<hbm>>) dst(%dma_wait3A_101 : memref<40x512xf32, #tpu.memory_space<vmem>>)
      "tpu.region"() ({
        %run_scoped3A = tpu.sem_alloc : memref<!tpu.dma_semaphore, #tpu.memory_space<semaphore_mem>>
        %dma_start3A_143 = arith.constant 0 : i32
        %dma_start3A_144 = arith.constant 0 : i32
        %dma_start3A_145 = tpu.memref_slice %arg7[%dma_start3A_143, %dma_start3A_144] : memref<88x512xf32, #tpu.memory_space<vmem>> -> memref<5x512xf32, #tpu.memory_space<vmem>>
        %dma_start3A_146 = arith.constant 0 : i32
        %dma_start3A_147 = arith.constant 0 : i32
        %dma_start3A_148 = tpu.memref_slice %arg7[%dma_start3A_146, %dma_start3A_147] : memref<88x512xf32, #tpu.memory_space<vmem>> -> memref<5x512xf32, #tpu.memory_space<vmem>>
        tpu.enqueue_dma source(%arg3 : memref<5x512xf32, #tpu.memory_space<hbm>>) target(%dma_start3A_148 : memref<5x512xf32, #tpu.memory_space<vmem>>) target_semaphore(%run_scoped3A : memref<!tpu.dma_semaphore, #tpu.memory_space<semaphore_mem>>)
        %dma_wait3A_149 = arith.constant 0 : i32
        %dma_wait3A_150 = arith.constant 0 : i32
        %dma_wait3A_151 = tpu.memref_slice %arg7[%dma_wait3A_149, %dma_wait3A_150] : memref<88x512xf32, #tpu.memory_space<vmem>> -> memref<5x512xf32, #tpu.memory_space<vmem>>
        %dma_wait3A_152 = arith.constant 0 : i32
        %dma_wait3A_153 = arith.constant 0 : i32
        %dma_wait3A_154 = tpu.memref_slice %arg7[%dma_wait3A_152, %dma_wait3A_153] : memref<88x512xf32, #tpu.memory_space<vmem>> -> memref<5x512xf32, #tpu.memory_space<vmem>>
        tpu.wait_dma2 semaphore(%run_scoped3A : memref<!tpu.dma_semaphore, #tpu.memory_space<semaphore_mem>>) src(%arg3 : memref<5x512xf32, #tpu.memory_space<hbm>>) dst(%dma_wait3A_154 : memref<5x512xf32, #tpu.memory_space<vmem>>)
        tpu.yield
      }) : () -> ()
      %add3A_110 = arith.addi %mul3A_2, %mul3A_58 : i32
      "tpu.region"() ({
        %run_scoped3A = tpu.sem_alloc : memref<!tpu.dma_semaphore, #tpu.memory_space<semaphore_mem>>
        %dma_start3A_143 = arith.constant 0 : i32
        %dma_start3A_144 = arith.constant 0 : i32
        %dma_start3A_145 = tpu.memref_slice %arg7[%dma_start3A_143, %dma_start3A_144] : memref<88x512xf32, #tpu.memory_space<vmem>> -> memref<80x512xf32, #tpu.memory_space<vmem>>
        %dma_start3A_146 = arith.constant 0 : i32
        %dma_start3A_147 = arith.constant 0 : i32
        %dma_start3A_148 = tpu.memref_slice %arg5[%add3A_110, %dma_start3A_146, %dma_start3A_147] : memref<1000x82x512xf32, #tpu.memory_space<hbm>> -> memref<1x82x512xf32, #tpu.memory_space<hbm>>
        %dma_start3A_149 = tpu.memref_squeeze %dma_start3A_148 : memref<1x82x512xf32, #tpu.memory_space<hbm>> -> memref<82x512xf32, #tpu.memory_space<hbm>>
        %dma_start3A_150 = arith.constant 0 : i32
        %dma_start3A_151 = arith.constant 0 : i32
        %dma_start3A_152 = tpu.memref_slice %dma_start3A_149[%dma_start3A_150, %dma_start3A_151] : memref<82x512xf32, #tpu.memory_space<hbm>> -> memref<80x512xf32, #tpu.memory_space<hbm>>
        %dma_start3A_153 = arith.constant 0 : i32
        %dma_start3A_154 = arith.constant 0 : i32
        %dma_start3A_155 = tpu.memref_slice %arg5[%add3A_110, %dma_start3A_153, %dma_start3A_154] : memref<1000x82x512xf32, #tpu.memory_space<hbm>> -> memref<1x82x512xf32, #tpu.memory_space<hbm>>
        %dma_start3A_156 = tpu.memref_squeeze %dma_start3A_155 : memref<1x82x512xf32, #tpu.memory_space<hbm>> -> memref<82x512xf32, #tpu.memory_space<hbm>>
        %dma_start3A_157 = arith.constant 0 : i32
        %dma_start3A_158 = arith.constant 0 : i32
        %dma_start3A_159 = tpu.memref_slice %dma_start3A_156[%dma_start3A_157, %dma_start3A_158] : memref<82x512xf32, #tpu.memory_space<hbm>> -> memref<80x512xf32, #tpu.memory_space<hbm>>
        %dma_start3A_160 = arith.constant 0 : i32
        %dma_start3A_161 = arith.constant 0 : i32
        %dma_start3A_162 = tpu.memref_slice %arg7[%dma_start3A_160, %dma_start3A_161] : memref<88x512xf32, #tpu.memory_space<vmem>> -> memref<80x512xf32, #tpu.memory_space<vmem>>
        tpu.enqueue_dma source(%dma_start3A_162 : memref<80x512xf32, #tpu.memory_space<vmem>>) target(%dma_start3A_159 : memref<80x512xf32, #tpu.memory_space<hbm>>) target_semaphore(%run_scoped3A : memref<!tpu.dma_semaphore, #tpu.memory_space<semaphore_mem>>)
        %dma_wait3A_163 = arith.constant 0 : i32
        %dma_wait3A_164 = arith.constant 0 : i32
        %dma_wait3A_165 = tpu.memref_slice %arg7[%dma_wait3A_163, %dma_wait3A_164] : memref<88x512xf32, #tpu.memory_space<vmem>> -> memref<80x512xf32, #tpu.memory_space<vmem>>
        %dma_wait3A_166 = arith.constant 0 : i32
        %dma_wait3A_167 = arith.constant 0 : i32
        %dma_wait3A_168 = tpu.memref_slice %arg5[%add3A_110, %dma_wait3A_166, %dma_wait3A_167] : memref<1000x82x512xf32, #tpu.memory_space<hbm>> -> memref<1x82x512xf32, #tpu.memory_space<hbm>>
        %dma_wait3A_169 = tpu.memref_squeeze %dma_wait3A_168 : memref<1x82x512xf32, #tpu.memory_space<hbm>> -> memref<82x512xf32, #tpu.memory_space<hbm>>
        %dma_wait3A_170 = arith.constant 0 : i32
        %dma_wait3A_171 = arith.constant 0 : i32
        %dma_wait3A_172 = tpu.memref_slice %dma_wait3A_169[%dma_wait3A_170, %dma_wait3A_171] : memref<82x512xf32, #tpu.memory_space<hbm>> -> memref<80x512xf32, #tpu.memory_space<hbm>>
        %dma_wait3A_173 = arith.constant 0 : i32
        %dma_wait3A_174 = arith.constant 0 : i32
        %dma_wait3A_175 = tpu.memref_slice %arg5[%add3A_110, %dma_wait3A_173, %dma_wait3A_174] : memref<1000x82x512xf32, #tpu.memory_space<hbm>> -> memref<1x82x512xf32, #tpu.memory_space<hbm>>
        %dma_wait3A_176 = tpu.memref_squeeze %dma_wait3A_175 : memref<1x82x512xf32, #tpu.memory_space<hbm>> -> memref<82x512xf32, #tpu.memory_space<hbm>>
        %dma_wait3A_177 = arith.constant 0 : i32
        %dma_wait3A_178 = arith.constant 0 : i32
        %dma_wait3A_179 = tpu.memref_slice %dma_wait3A_176[%dma_wait3A_177, %dma_wait3A_178] : memref<82x512xf32, #tpu.memory_space<hbm>> -> memref<80x512xf32, #tpu.memory_space<hbm>>
        %dma_wait3A_180 = arith.constant 0 : i32
        %dma_wait3A_181 = arith.constant 0 : i32
        %dma_wait3A_182 = tpu.memref_slice %arg7[%dma_wait3A_180, %dma_wait3A_181] : memref<88x512xf32, #tpu.memory_space<vmem>> -> memref<80x512xf32, #tpu.memory_space<vmem>>
        tpu.wait_dma2 semaphore(%run_scoped3A : memref<!tpu.dma_semaphore, #tpu.memory_space<semaphore_mem>>) src(%dma_wait3A_182 : memref<80x512xf32, #tpu.memory_space<vmem>>) dst(%dma_wait3A_179 : memref<80x512xf32, #tpu.memory_space<hbm>>)
        tpu.yield
      }) : () -> ()
      "tpu.region"() ({
        %run_scoped3A = tpu.sem_alloc : memref<!tpu.dma_semaphore, #tpu.memory_space<semaphore_mem>>
        %dma_start3A_143 = arith.constant 80 : i32
        %dma_start3A_144 = arith.constant 0 : i32
        %dma_start3A_145 = tpu.memref_slice %arg7[%dma_start3A_143, %dma_start3A_144] : memref<88x512xf32, #tpu.memory_space<vmem>> -> memref<2x512xf32, #tpu.memory_space<vmem>>
        %dma_start3A_146 = arith.constant 0 : i32
        %dma_start3A_147 = arith.constant 0 : i32
        %dma_start3A_148 = tpu.memref_slice %arg5[%add3A_110, %dma_start3A_146, %dma_start3A_147] : memref<1000x82x512xf32, #tpu.memory_space<hbm>> -> memref<1x82x512xf32, #tpu.memory_space<hbm>>
        %dma_start3A_149 = tpu.memref_squeeze %dma_start3A_148 : memref<1x82x512xf32, #tpu.memory_space<hbm>> -> memref<82x512xf32, #tpu.memory_space<hbm>>
        %dma_start3A_150 = arith.constant 80 : i32
        %dma_start3A_151 = arith.constant 0 : i32
        %dma_start3A_152 = tpu.memref_slice %dma_start3A_149[%dma_start3A_150, %dma_start3A_151] : memref<82x512xf32, #tpu.memory_space<hbm>> -> memref<2x512xf32, #tpu.memory_space<hbm>>
        %dma_start3A_153 = arith.constant 0 : i32
        %dma_start3A_154 = arith.constant 0 : i32
        %dma_start3A_155 = tpu.memref_slice %arg5[%add3A_110, %dma_start3A_153, %dma_start3A_154] : memref<1000x82x512xf32, #tpu.memory_space<hbm>> -> memref<1x82x512xf32, #tpu.memory_space<hbm>>
        %dma_start3A_156 = tpu.memref_squeeze %dma_start3A_155 : memref<1x82x512xf32, #tpu.memory_space<hbm>> -> memref<82x512xf32, #tpu.memory_space<hbm>>
        %dma_start3A_157 = arith.constant 80 : i32
        %dma_start3A_158 = arith.constant 0 : i32
        %dma_start3A_159 = tpu.memref_slice %dma_start3A_156[%dma_start3A_157, %dma_start3A_158] : memref<82x512xf32, #tpu.memory_space<hbm>> -> memref<2x512xf32, #tpu.memory_space<hbm>>
        %dma_start3A_160 = arith.constant 80 : i32
        %dma_start3A_161 = arith.constant 0 : i32
        %dma_start3A_162 = tpu.memref_slice %arg7[%dma_start3A_160, %dma_start3A_161] : memref<88x512xf32, #tpu.memory_space<vmem>> -> memref<2x512xf32, #tpu.memory_space<vmem>>
        tpu.enqueue_dma source(%dma_start3A_162 : memref<2x512xf32, #tpu.memory_space<vmem>>) target(%dma_start3A_159 : memref<2x512xf32, #tpu.memory_space<hbm>>) target_semaphore(%run_scoped3A : memref<!tpu.dma_semaphore, #tpu.memory_space<semaphore_mem>>)
        %dma_wait3A_163 = arith.constant 80 : i32
        %dma_wait3A_164 = arith.constant 0 : i32
        %dma_wait3A_165 = tpu.memref_slice %arg7[%dma_wait3A_163, %dma_wait3A_164] : memref<88x512xf32, #tpu.memory_space<vmem>> -> memref<2x512xf32, #tpu.memory_space<vmem>>
        %dma_wait3A_166 = arith.constant 0 : i32
        %dma_wait3A_167 = arith.constant 0 : i32
        %dma_wait3A_168 = tpu.memref_slice %arg5[%add3A_110, %dma_wait3A_166, %dma_wait3A_167] : memref<1000x82x512xf32, #tpu.memory_space<hbm>> -> memref<1x82x512xf32, #tpu.memory_space<hbm>>
        %dma_wait3A_169 = tpu.memref_squeeze %dma_wait3A_168 : memref<1x82x512xf32, #tpu.memory_space<hbm>> -> memref<82x512xf32, #tpu.memory_space<hbm>>
        %dma_wait3A_170 = arith.constant 80 : i32
        %dma_wait3A_171 = arith.constant 0 : i32
        %dma_wait3A_172 = tpu.memref_slice %dma_wait3A_169[%dma_wait3A_170, %dma_wait3A_171] : memref<82x512xf32, #tpu.memory_space<hbm>> -> memref<2x512xf32, #tpu.memory_space<hbm>>
        %dma_wait3A_173 = arith.constant 0 : i32
        %dma_wait3A_174 = arith.constant 0 : i32
        %dma_wait3A_175 = tpu.memref_slice %arg5[%add3A_110, %dma_wait3A_173, %dma_wait3A_174] : memref<1000x82x512xf32, #tpu.memory_space<hbm>> -> memref<1x82x512xf32, #tpu.memory_space<hbm>>
        %dma_wait3A_176 = tpu.memref_squeeze %dma_wait3A_175 : memref<1x82x512xf32, #tpu.memory_space<hbm>> -> memref<82x512xf32, #tpu.memory_space<hbm>>
        %dma_wait3A_177 = arith.constant 80 : i32
        %dma_wait3A_178 = arith.constant 0 : i32
        %dma_wait3A_179 = tpu.memref_slice %dma_wait3A_176[%dma_wait3A_177, %dma_wait3A_178] : memref<82x512xf32, #tpu.memory_space<hbm>> -> memref<2x512xf32, #tpu.memory_space<hbm>>
        %dma_wait3A_180 = arith.constant 80 : i32
        %dma_wait3A_181 = arith.constant 0 : i32
        %dma_wait3A_182 = tpu.memref_slice %arg7[%dma_wait3A_180, %dma_wait3A_181] : memref<88x512xf32, #tpu.memory_space<vmem>> -> memref<2x512xf32, #tpu.memory_space<vmem>>
        tpu.wait_dma2 semaphore(%run_scoped3A : memref<!tpu.dma_semaphore, #tpu.memory_space<semaphore_mem>>) src(%dma_wait3A_182 : memref<2x512xf32, #tpu.memory_space<vmem>>) dst(%dma_wait3A_179 : memref<2x512xf32, #tpu.memory_space<hbm>>)
        tpu.yield
      }) : () -> ()
      %add3A_111 = arith.constant 2 : i32
      %add3A_112 = arith.addi %mul3A_58, %add3A_111 : i32
      %lt3A = arith.cmpi slt, %add3A_112, %min3A_4 : i32
      %convert_element_type3A = arith.extui %lt3A : i1 to i32
      %cond3A = arith.constant 0 : i32
      %cond3A_113 = arith.cmpi ne, %convert_element_type3A, %cond3A : i32
      scf.if %cond3A_113 {
        %add3A_143 = arith.constant 2 : i32
        %add3A_144 = arith.addi %mul3A_58, %add3A_143 : i32
        %dma_start3A_145 = arith.constant 0 : i32
        %dma_start3A_146 = arith.constant 0 : i32
        %dma_start3A_147 = arith.constant 0 : i32
        %dma_start3A_148 = tpu.memref_slice %arg7[%dma_start3A_146, %dma_start3A_147] : memref<88x512xf32, #tpu.memory_space<vmem>> -> memref<48x512xf32, #tpu.memory_space<vmem>>
        %dma_start3A_149 = arith.constant 0 : i32
        %dma_start3A_150 = tpu.memref_slice %arg6[%add3A_144, %dma_start3A_145, %dma_start3A_149] : memref<32x1x88xi32, #tpu.memory_space<vmem>> -> memref<1x1x88xi32, #tpu.memory_space<vmem>>
        %dma_start3A_151 = tpu.memref_squeeze %dma_start3A_150 : memref<1x1x88xi32, #tpu.memory_space<vmem>> -> memref<88xi32, #tpu.memory_space<vmem>>
        %dma_start3A_152 = arith.constant 0 : i32
        %dma_start3A_153 = tpu.memref_slice %dma_start3A_151[%dma_start3A_152] : memref<88xi32, #tpu.memory_space<vmem>> -> memref<48xi32, #tpu.memory_space<vmem>>
        %dma_start3A_154 = arith.constant 0 : i32
        %dma_start3A_155 = arith.constant 0 : i32
        %dma_start3A_156 = tpu.memref_slice %arg2[%dma_start3A_154, %dma_start3A_155] : memref<49408x512xf32, #tpu.memory_space<hbm>> -> memref<49408x512xf32, #tpu.memory_space<hbm>>
        tpu.enqueue_indirect_dma source(%dma_start3A_156 : memref<49408x512xf32, #tpu.memory_space<hbm>>) target(%dma_start3A_148 : memref<48x512xf32, #tpu.memory_space<vmem>>) offsets(%dma_start3A_153 : memref<48xi32, #tpu.memory_space<vmem>>) semaphore(%arg9 : memref<!tpu.dma_semaphore, #tpu.memory_space<semaphore_mem>>)
        %dma_start3A_157 = arith.constant 0 : i32
        %dma_start3A_158 = arith.constant 48 : i32
        %dma_start3A_159 = arith.constant 0 : i32
        %dma_start3A_160 = tpu.memref_slice %arg7[%dma_start3A_158, %dma_start3A_159] : memref<88x512xf32, #tpu.memory_space<vmem>> -> memref<40x512xf32, #tpu.memory_space<vmem>>
        %dma_start3A_161 = arith.constant 0 : i32
        %dma_start3A_162 = tpu.memref_slice %arg6[%add3A_144, %dma_start3A_157, %dma_start3A_161] : memref<32x1x88xi32, #tpu.memory_space<vmem>> -> memref<1x1x88xi32, #tpu.memory_space<vmem>>
        %dma_start3A_163 = tpu.memref_squeeze %dma_start3A_162 : memref<1x1x88xi32, #tpu.memory_space<vmem>> -> memref<88xi32, #tpu.memory_space<vmem>>
        %dma_start3A_164 = arith.constant 48 : i32
        %dma_start3A_165 = tpu.memref_slice %dma_start3A_163[%dma_start3A_164] : memref<88xi32, #tpu.memory_space<vmem>> -> memref<40xi32, #tpu.memory_space<vmem>>
        %dma_start3A_166 = arith.constant 0 : i32
        %dma_start3A_167 = arith.constant 0 : i32
        %dma_start3A_168 = tpu.memref_slice %arg2[%dma_start3A_166, %dma_start3A_167] : memref<49408x512xf32, #tpu.memory_space<hbm>> -> memref<49408x512xf32, #tpu.memory_space<hbm>>
        tpu.enqueue_indirect_dma source(%dma_start3A_168 : memref<49408x512xf32, #tpu.memory_space<hbm>>) target(%dma_start3A_160 : memref<40x512xf32, #tpu.memory_space<vmem>>) offsets(%dma_start3A_165 : memref<40xi32, #tpu.memory_space<vmem>>) semaphore(%arg10 : memref<!tpu.dma_semaphore, #tpu.memory_space<semaphore_mem>>)
      } else {
      }
      %dma_wait3A_114 = arith.constant 0 : i32
      %dma_wait3A_115 = arith.constant 0 : i32
      %dma_wait3A_116 = arith.constant 0 : i32
      %dma_wait3A_117 = arith.constant 0 : i32
      %dma_wait3A_118 = tpu.memref_slice %arg8[%dma_wait3A_116, %dma_wait3A_117] : memref<88x512xf32, #tpu.memory_space<vmem>> -> memref<48x512xf32, #tpu.memory_space<vmem>>
      %dma_wait3A_119 = arith.constant 0 : i32
      %dma_wait3A_120 = tpu.memref_slice %arg6[%dma_wait3A_114, %dma_wait3A_115, %dma_wait3A_119] : memref<32x1x88xi32, #tpu.memory_space<vmem>> -> memref<1x1x88xi32, #tpu.memory_space<vmem>>
      %dma_wait3A_121 = tpu.memref_squeeze %dma_wait3A_120 : memref<1x1x88xi32, #tpu.memory_space<vmem>> -> memref<88xi32, #tpu.memory_space<vmem>>
      %dma_wait3A_122 = arith.constant 0 : i32
      %dma_wait3A_123 = tpu.memref_slice %dma_wait3A_121[%dma_wait3A_122] : memref<88xi32, #tpu.memory_space<vmem>> -> memref<48xi32, #tpu.memory_space<vmem>>
      %dma_wait3A_124 = arith.constant 0 : i32
      %dma_wait3A_125 = arith.constant 0 : i32
      %dma_wait3A_126 = tpu.memref_slice %arg2[%dma_wait3A_124, %dma_wait3A_125] : memref<49408x512xf32, #tpu.memory_space<hbm>> -> memref<49408x512xf32, #tpu.memory_space<hbm>>
      tpu.wait_indirect_dma semaphore(%arg11 : memref<!tpu.dma_semaphore, #tpu.memory_space<semaphore_mem>>) src(%dma_wait3A_126 : memref<49408x512xf32, #tpu.memory_space<hbm>>) dst(%dma_wait3A_118 : memref<48x512xf32, #tpu.memory_space<vmem>>)
      %dma_wait3A_127 = arith.constant 0 : i32
      %dma_wait3A_128 = arith.constant 0 : i32
      %dma_wait3A_129 = arith.constant 48 : i32
      %dma_wait3A_130 = arith.constant 0 : i32
      %dma_wait3A_131 = tpu.memref_slice %arg8[%dma_wait3A_129, %dma_wait3A_130] : memref<88x512xf32, #tpu.memory_space<vmem>> -> memref<40x512xf32, #tpu.memory_space<vmem>>
      %dma_wait3A_132 = arith.constant 0 : i32
      %dma_wait3A_133 = tpu.memref_slice %arg6[%dma_wait3A_127, %dma_wait3A_128, %dma_wait3A_132] : memref<32x1x88xi32, #tpu.memory_space<vmem>> -> memref<1x1x88xi32, #tpu.memory_space<vmem>>
      %dma_wait3A_134 = tpu.memref_squeeze %dma_wait3A_133 : memref<1x1x88xi32, #tpu.memory_space<vmem>> -> memref<88xi32, #tpu.memory_space<vmem>>
      %dma_wait3A_135 = arith.constant 48 : i32
      %dma_wait3A_136 = tpu.memref_slice %dma_wait3A_134[%dma_wait3A_135] : memref<88xi32, #tpu.memory_space<vmem>> -> memref<40xi32, #tpu.memory_space<vmem>>
      %dma_wait3A_137 = arith.constant 0 : i32
      %dma_wait3A_138 = arith.constant 0 : i32
      %dma_wait3A_139 = tpu.memref_slice %arg2[%dma_wait3A_137, %dma_wait3A_138] : memref<49408x512xf32, #tpu.memory_space<hbm>> -> memref<49408x512xf32, #tpu.memory_space<hbm>>
      tpu.wait_indirect_dma semaphore(%arg12 : memref<!tpu.dma_semaphore, #tpu.memory_space<semaphore_mem>>) src(%dma_wait3A_139 : memref<49408x512xf32, #tpu.memory_space<hbm>>) dst(%dma_wait3A_131 : memref<40x512xf32, #tpu.memory_space<vmem>>)
      %add3A_140 = arith.constant 1 : i32
      %add3A_141 = arith.addi %mul3A_58, %add3A_140 : i32
      "tpu.region"() ({
        %run_scoped3A = tpu.sem_alloc : memref<!tpu.dma_semaphore, #tpu.memory_space<semaphore_mem>>
        %dma_start3A_143 = arith.constant 0 : i32
        %dma_start3A_144 = arith.constant 0 : i32
        %dma_start3A_145 = tpu.memref_slice %arg8[%dma_start3A_143, %dma_start3A_144] : memref<88x512xf32, #tpu.memory_space<vmem>> -> memref<5x512xf32, #tpu.memory_space<vmem>>
        %dma_start3A_146 = arith.constant 0 : i32
        %dma_start3A_147 = arith.constant 0 : i32
        %dma_start3A_148 = tpu.memref_slice %arg8[%dma_start3A_146, %dma_start3A_147] : memref<88x512xf32, #tpu.memory_space<vmem>> -> memref<5x512xf32, #tpu.memory_space<vmem>>
        tpu.enqueue_dma source(%arg3 : memref<5x512xf32, #tpu.memory_space<hbm>>) target(%dma_start3A_148 : memref<5x512xf32, #tpu.memory_space<vmem>>) target_semaphore(%run_scoped3A : memref<!tpu.dma_semaphore, #tpu.memory_space<semaphore_mem>>)
        %dma_wait3A_149 = arith.constant 0 : i32
        %dma_wait3A_150 = arith.constant 0 : i32
        %dma_wait3A_151 = tpu.memref_slice %arg8[%dma_wait3A_149, %dma_wait3A_150] : memref<88x512xf32, #tpu.memory_space<vmem>> -> memref<5x512xf32, #tpu.memory_space<vmem>>
        %dma_wait3A_152 = arith.constant 0 : i32
        %dma_wait3A_153 = arith.constant 0 : i32
        %dma_wait3A_154 = tpu.memref_slice %arg8[%dma_wait3A_152, %dma_wait3A_153] : memref<88x512xf32, #tpu.memory_space<vmem>> -> memref<5x512xf32, #tpu.memory_space<vmem>>
        tpu.wait_dma2 semaphore(%run_scoped3A : memref<!tpu.dma_semaphore, #tpu.memory_space<semaphore_mem>>) src(%arg3 : memref<5x512xf32, #tpu.memory_space<hbm>>) dst(%dma_wait3A_154 : memref<5x512xf32, #tpu.memory_space<vmem>>)
        tpu.yield
      }) : () -> ()
      %add3A_142 = arith.addi %mul3A_2, %add3A_141 : i32
      "tpu.region"() ({
        %run_scoped3A = tpu.sem_alloc : memref<!tpu.dma_semaphore, #tpu.memory_space<semaphore_mem>>
        %dma_start3A_143 = arith.constant 0 : i32
        %dma_start3A_144 = arith.constant 0 : i32
        %dma_start3A_145 = tpu.memref_slice %arg8[%dma_start3A_143, %dma_start3A_144] : memref<88x512xf32, #tpu.memory_space<vmem>> -> memref<80x512xf32, #tpu.memory_space<vmem>>
        %dma_start3A_146 = arith.constant 0 : i32
        %dma_start3A_147 = arith.constant 0 : i32
        %dma_start3A_148 = tpu.memref_slice %arg5[%add3A_142, %dma_start3A_146, %dma_start3A_147] : memref<1000x82x512xf32, #tpu.memory_space<hbm>> -> memref<1x82x512xf32, #tpu.memory_space<hbm>>
        %dma_start3A_149 = tpu.memref_squeeze %dma_start3A_148 : memref<1x82x512xf32, #tpu.memory_space<hbm>> -> memref<82x512xf32, #tpu.memory_space<hbm>>
        %dma_start3A_150 = arith.constant 0 : i32
        %dma_start3A_151 = arith.constant 0 : i32
        %dma_start3A_152 = tpu.memref_slice %dma_start3A_149[%dma_start3A_150, %dma_start3A_151] : memref<82x512xf32, #tpu.memory_space<hbm>> -> memref<80x512xf32, #tpu.memory_space<hbm>>
        %dma_start3A_153 = arith.constant 0 : i32
        %dma_start3A_154 = arith.constant 0 : i32
        %dma_start3A_155 = tpu.memref_slice %arg5[%add3A_142, %dma_start3A_153, %dma_start3A_154] : memref<1000x82x512xf32, #tpu.memory_space<hbm>> -> memref<1x82x512xf32, #tpu.memory_space<hbm>>
        %dma_start3A_156 = tpu.memref_squeeze %dma_start3A_155 : memref<1x82x512xf32, #tpu.memory_space<hbm>> -> memref<82x512xf32, #tpu.memory_space<hbm>>
        %dma_start3A_157 = arith.constant 0 : i32
        %dma_start3A_158 = arith.constant 0 : i32
        %dma_start3A_159 = tpu.memref_slice %dma_start3A_156[%dma_start3A_157, %dma_start3A_158] : memref<82x512xf32, #tpu.memory_space<hbm>> -> memref<80x512xf32, #tpu.memory_space<hbm>>
        %dma_start3A_160 = arith.constant 0 : i32
        %dma_start3A_161 = arith.constant 0 : i32
        %dma_start3A_162 = tpu.memref_slice %arg8[%dma_start3A_160, %dma_start3A_161] : memref<88x512xf32, #tpu.memory_space<vmem>> -> memref<80x512xf32, #tpu.memory_space<vmem>>
        tpu.enqueue_dma source(%dma_start3A_162 : memref<80x512xf32, #tpu.memory_space<vmem>>) target(%dma_start3A_159 : memref<80x512xf32, #tpu.memory_space<hbm>>) target_semaphore(%run_scoped3A : memref<!tpu.dma_semaphore, #tpu.memory_space<semaphore_mem>>)
        %dma_wait3A_163 = arith.constant 0 : i32
        %dma_wait3A_164 = arith.constant 0 : i32
        %dma_wait3A_165 = tpu.memref_slice %arg8[%dma_wait3A_163, %dma_wait3A_164] : memref<88x512xf32, #tpu.memory_space<vmem>> -> memref<80x512xf32, #tpu.memory_space<vmem>>
        %dma_wait3A_166 = arith.constant 0 : i32
        %dma_wait3A_167 = arith.constant 0 : i32
        %dma_wait3A_168 = tpu.memref_slice %arg5[%add3A_142, %dma_wait3A_166, %dma_wait3A_167] : memref<1000x82x512xf32, #tpu.memory_space<hbm>> -> memref<1x82x512xf32, #tpu.memory_space<hbm>>
        %dma_wait3A_169 = tpu.memref_squeeze %dma_wait3A_168 : memref<1x82x512xf32, #tpu.memory_space<hbm>> -> memref<82x512xf32, #tpu.memory_space<hbm>>
        %dma_wait3A_170 = arith.constant 0 : i32
        %dma_wait3A_171 = arith.constant 0 : i32
        %dma_wait3A_172 = tpu.memref_slice %dma_wait3A_169[%dma_wait3A_170, %dma_wait3A_171] : memref<82x512xf32, #tpu.memory_space<hbm>> -> memref<80x512xf32, #tpu.memory_space<hbm>>
        %dma_wait3A_173 = arith.constant 0 : i32
        %dma_wait3A_174 = arith.constant 0 : i32
        %dma_wait3A_175 = tpu.memref_slice %arg5[%add3A_142, %dma_wait3A_173, %dma_wait3A_174] : memref<1000x82x512xf32, #tpu.memory_space<hbm>> -> memref<1x82x512xf32, #tpu.memory_space<hbm>>
        %dma_wait3A_176 = tpu.memref_squeeze %dma_wait3A_175 : memref<1x82x512xf32, #tpu.memory_space<hbm>> -> memref<82x512xf32, #tpu.memory_space<hbm>>
        %dma_wait3A_177 = arith.constant 0 : i32
        %dma_wait3A_178 = arith.constant 0 : i32
        %dma_wait3A_179 = tpu.memref_slice %dma_wait3A_176[%dma_wait3A_177, %dma_wait3A_178] : memref<82x512xf32, #tpu.memory_space<hbm>> -> memref<80x512xf32, #tpu.memory_space<hbm>>
        %dma_wait3A_180 = arith.constant 0 : i32
        %dma_wait3A_181 = arith.constant 0 : i32
        %dma_wait3A_182 = tpu.memref_slice %arg8[%dma_wait3A_180, %dma_wait3A_181] : memref<88x512xf32, #tpu.memory_space<vmem>> -> memref<80x512xf32, #tpu.memory_space<vmem>>
        tpu.wait_dma2 semaphore(%run_scoped3A : memref<!tpu.dma_semaphore, #tpu.memory_space<semaphore_mem>>) src(%dma_wait3A_182 : memref<80x512xf32, #tpu.memory_space<vmem>>) dst(%dma_wait3A_179 : memref<80x512xf32, #tpu.memory_space<hbm>>)
        tpu.yield
      }) : () -> ()
      "tpu.region"() ({
        %run_scoped3A = tpu.sem_alloc : memref<!tpu.dma_semaphore, #tpu.memory_space<semaphore_mem>>
        %dma_start3A_143 = arith.constant 80 : i32
        %dma_start3A_144 = arith.constant 0 : i32
        %dma_start3A_145 = tpu.memref_slice %arg8[%dma_start3A_143, %dma_start3A_144] : memref<88x512xf32, #tpu.memory_space<vmem>> -> memref<2x512xf32, #tpu.memory_space<vmem>>
        %dma_start3A_146 = arith.constant 0 : i32
        %dma_start3A_147 = arith.constant 0 : i32
        %dma_start3A_148 = tpu.memref_slice %arg5[%add3A_142, %dma_start3A_146, %dma_start3A_147] : memref<1000x82x512xf32, #tpu.memory_space<hbm>> -> memref<1x82x512xf32, #tpu.memory_space<hbm>>
        %dma_start3A_149 = tpu.memref_squeeze %dma_start3A_148 : memref<1x82x512xf32, #tpu.memory_space<hbm>> -> memref<82x512xf32, #tpu.memory_space<hbm>>
        %dma_start3A_150 = arith.constant 80 : i32
        %dma_start3A_151 = arith.constant 0 : i32
        %dma_start3A_152 = tpu.memref_slice %dma_start3A_149[%dma_start3A_150, %dma_start3A_151] : memref<82x512xf32, #tpu.memory_space<hbm>> -> memref<2x512xf32, #tpu.memory_space<hbm>>
        %dma_start3A_153 = arith.constant 0 : i32
        %dma_start3A_154 = arith.constant 0 : i32
        %dma_start3A_155 = tpu.memref_slice %arg5[%add3A_142, %dma_start3A_153, %dma_start3A_154] : memref<1000x82x512xf32, #tpu.memory_space<hbm>> -> memref<1x82x512xf32, #tpu.memory_space<hbm>>
        %dma_start3A_156 = tpu.memref_squeeze %dma_start3A_155 : memref<1x82x512xf32, #tpu.memory_space<hbm>> -> memref<82x512xf32, #tpu.memory_space<hbm>>
        %dma_start3A_157 = arith.constant 80 : i32
        %dma_start3A_158 = arith.constant 0 : i32
        %dma_start3A_159 = tpu.memref_slice %dma_start3A_156[%dma_start3A_157, %dma_start3A_158] : memref<82x512xf32, #tpu.memory_space<hbm>> -> memref<2x512xf32, #tpu.memory_space<hbm>>
        %dma_start3A_160 = arith.constant 80 : i32
        %dma_start3A_161 = arith.constant 0 : i32
        %dma_start3A_162 = tpu.memref_slice %arg8[%dma_start3A_160, %dma_start3A_161] : memref<88x512xf32, #tpu.memory_space<vmem>> -> memref<2x512xf32, #tpu.memory_space<vmem>>
        tpu.enqueue_dma source(%dma_start3A_162 : memref<2x512xf32, #tpu.memory_space<vmem>>) target(%dma_start3A_159 : memref<2x512xf32, #tpu.memory_space<hbm>>) target_semaphore(%run_scoped3A : memref<!tpu.dma_semaphore, #tpu.memory_space<semaphore_mem>>)
        %dma_wait3A_163 = arith.constant 80 : i32
        %dma_wait3A_164 = arith.constant 0 : i32
        %dma_wait3A_165 = tpu.memref_slice %arg8[%dma_wait3A_163, %dma_wait3A_164] : memref<88x512xf32, #tpu.memory_space<vmem>> -> memref<2x512xf32, #tpu.memory_space<vmem>>
        %dma_wait3A_166 = arith.constant 0 : i32
        %dma_wait3A_167 = arith.constant 0 : i32
        %dma_wait3A_168 = tpu.memref_slice %arg5[%add3A_142, %dma_wait3A_166, %dma_wait3A_167] : memref<1000x82x512xf32, #tpu.memory_space<hbm>> -> memref<1x82x512xf32, #tpu.memory_space<hbm>>
        %dma_wait3A_169 = tpu.memref_squeeze %dma_wait3A_168 : memref<1x82x512xf32, #tpu.memory_space<hbm>> -> memref<82x512xf32, #tpu.memory_space<hbm>>
        %dma_wait3A_170 = arith.constant 80 : i32
        %dma_wait3A_171 = arith.constant 0 : i32
        %dma_wait3A_172 = tpu.memref_slice %dma_wait3A_169[%dma_wait3A_170, %dma_wait3A_171] : memref<82x512xf32, #tpu.memory_space<hbm>> -> memref<2x512xf32, #tpu.memory_space<hbm>>
        %dma_wait3A_173 = arith.constant 0 : i32
        %dma_wait3A_174 = arith.constant 0 : i32
        %dma_wait3A_175 = tpu.memref_slice %arg5[%add3A_142, %dma_wait3A_173, %dma_wait3A_174] : memref<1000x82x512xf32, #tpu.memory_space<hbm>> -> memref<1x82x512xf32, #tpu.memory_space<hbm>>
        %dma_wait3A_176 = tpu.memref_squeeze %dma_wait3A_175 : memref<1x82x512xf32, #tpu.memory_space<hbm>> -> memref<82x512xf32, #tpu.memory_space<hbm>>
        %dma_wait3A_177 = arith.constant 80 : i32
        %dma_wait3A_178 = arith.constant 0 : i32
        %dma_wait3A_179 = tpu.memref_slice %dma_wait3A_176[%dma_wait3A_177, %dma_wait3A_178] : memref<82x512xf32, #tpu.memory_space<hbm>> -> memref<2x512xf32, #tpu.memory_space<hbm>>
        %dma_wait3A_180 = arith.constant 80 : i32
        %dma_wait3A_181 = arith.constant 0 : i32
        %dma_wait3A_182 = tpu.memref_slice %arg8[%dma_wait3A_180, %dma_wait3A_181] : memref<88x512xf32, #tpu.memory_space<vmem>> -> memref<2x512xf32, #tpu.memory_space<vmem>>
        tpu.wait_dma2 semaphore(%run_scoped3A : memref<!tpu.dma_semaphore, #tpu.memory_space<semaphore_mem>>) src(%dma_wait3A_182 : memref<2x512xf32, #tpu.memory_space<vmem>>) dst(%dma_wait3A_179 : memref<2x512xf32, #tpu.memory_space<hbm>>)
        tpu.yield
      }) : () -> ()
    }
    %while3A_55 = arith.constant 1 : i32
    scf.for %while3A_56 = %while3A_53 to %while3A_49 step %while3A_55  : i32 {
      %mul3A_57 = arith.constant 2 : i32
      %mul3A_58 = arith.muli %mul3A_57, %while3A_56 : i32
      %add3A_59 = arith.constant 1 : i32
      %add3A_60 = arith.addi %mul3A_58, %add3A_59 : i32
      %dma_start3A_61 = arith.constant 0 : i32
      %dma_start3A_62 = arith.constant 0 : i32
      %dma_start3A_63 = arith.constant 0 : i32
      %dma_start3A_64 = tpu.memref_slice %arg8[%dma_start3A_62, %dma_start3A_63] : memref<88x512xf32, #tpu.memory_space<vmem>> -> memref<48x512xf32, #tpu.memory_space<vmem>>
      %dma_start3A_65 = arith.constant 0 : i32
      %dma_start3A_66 = tpu.memref_slice %arg6[%add3A_60, %dma_start3A_61, %dma_start3A_65] : memref<32x1x88xi32, #tpu.memory_space<vmem>> -> memref<1x1x88xi32, #tpu.memory_space<vmem>>
      %dma_start3A_67 = tpu.memref_squeeze %dma_start3A_66 : memref<1x1x88xi32, #tpu.memory_space<vmem>> -> memref<88xi32, #tpu.memory_space<vmem>>
      %dma_start3A_68 = arith.constant 0 : i32
      %dma_start3A_69 = tpu.memref_slice %dma_start3A_67[%dma_start3A_68] : memref<88xi32, #tpu.memory_space<vmem>> -> memref<48xi32, #tpu.memory_space<vmem>>
      %dma_start3A_70 = arith.constant 0 : i32
      %dma_start3A_71 = arith.constant 0 : i32
      %dma_start3A_72 = tpu.memref_slice %arg2[%dma_start3A_70, %dma_start3A_71] : memref<49408x512xf32, #tpu.memory_space<hbm>> -> memref<49408x512xf32, #tpu.memory_space<hbm>>
      tpu.enqueue_indirect_dma source(%dma_start3A_72 : memref<49408x512xf32, #tpu.memory_space<hbm>>) target(%dma_start3A_64 : memref<48x512xf32, #tpu.memory_space<vmem>>) offsets(%dma_start3A_69 : memref<48xi32, #tpu.memory_space<vmem>>) semaphore(%arg11 : memref<!tpu.dma_semaphore, #tpu.memory_space<semaphore_mem>>)
      %dma_start3A_73 = arith.constant 0 : i32
      %dma_start3A_74 = arith.constant 48 : i32
      %dma_start3A_75 = arith.constant 0 : i32
      %dma_start3A_76 = tpu.memref_slice %arg8[%dma_start3A_74, %dma_start3A_75] : memref<88x512xf32, #tpu.memory_space<vmem>> -> memref<40x512xf32, #tpu.memory_space<vmem>>
      %dma_start3A_77 = arith.constant 0 : i32
      %dma_start3A_78 = tpu.memref_slice %arg6[%add3A_60, %dma_start3A_73, %dma_start3A_77] : memref<32x1x88xi32, #tpu.memory_space<vmem>> -> memref<1x1x88xi32, #tpu.memory_space<vmem>>
      %dma_start3A_79 = tpu.memref_squeeze %dma_start3A_78 : memref<1x1x88xi32, #tpu.memory_space<vmem>> -> memref<88xi32, #tpu.memory_space<vmem>>
      %dma_start3A_80 = arith.constant 48 : i32
      %dma_start3A_81 = tpu.memref_slice %dma_start3A_79[%dma_start3A_80] : memref<88xi32, #tpu.memory_space<vmem>> -> memref<40xi32, #tpu.memory_space<vmem>>
      %dma_start3A_82 = arith.constant 0 : i32
      %dma_start3A_83 = arith.constant 0 : i32
      %dma_start3A_84 = tpu.memref_slice %arg2[%dma_start3A_82, %dma_start3A_83] : memref<49408x512xf32, #tpu.memory_space<hbm>> -> memref<49408x512xf32, #tpu.memory_space<hbm>>
      tpu.enqueue_indirect_dma source(%dma_start3A_84 : memref<49408x512xf32, #tpu.memory_space<hbm>>) target(%dma_start3A_76 : memref<40x512xf32, #tpu.memory_space<vmem>>) offsets(%dma_start3A_81 : memref<40xi32, #tpu.memory_space<vmem>>) semaphore(%arg12 : memref<!tpu.dma_semaphore, #tpu.memory_space<semaphore_mem>>)
      %dma_wait3A = arith.constant 0 : i32
      %dma_wait3A_85 = arith.constant 0 : i32
      %dma_wait3A_86 = arith.constant 0 : i32
      %dma_wait3A_87 = arith.constant 0 : i32
      %dma_wait3A_88 = tpu.memref_slice %arg7[%dma_wait3A_86, %dma_wait3A_87] : memref<88x512xf32, #tpu.memory_space<vmem>> -> memref<48x512xf32, #tpu.memory_space<vmem>>
      %dma_wait3A_89 = arith.constant 0 : i32
      %dma_wait3A_90 = tpu.memref_slice %arg6[%dma_wait3A, %dma_wait3A_85, %dma_wait3A_89] : memref<32x1x88xi32, #tpu.memory_space<vmem>> -> memref<1x1x88xi32, #tpu.memory_space<vmem>>
      %dma_wait3A_91 = tpu.memref_squeeze %dma_wait3A_90 : memref<1x1x88xi32, #tpu.memory_space<vmem>> -> memref<88xi32, #tpu.memory_space<vmem>>
      %dma_wait3A_92 = arith.constant 0 : i32
      %dma_wait3A_93 = tpu.memref_slice %dma_wait3A_91[%dma_wait3A_92] : memref<88xi32, #tpu.memory_space<vmem>> -> memref<48xi32, #tpu.memory_space<vmem>>
      %dma_wait3A_94 = arith.constant 0 : i32
      %dma_wait3A_95 = arith.constant 0 : i32
      %dma_wait3A_96 = tpu.memref_slice %arg2[%dma_wait3A_94, %dma_wait3A_95] : memref<49408x512xf32, #tpu.memory_space<hbm>> -> memref<49408x512xf32, #tpu.memory_space<hbm>>
      tpu.wait_indirect_dma semaphore(%arg9 : memref<!tpu.dma_semaphore, #tpu.memory_space<semaphore_mem>>) src(%dma_wait3A_96 : memref<49408x512xf32, #tpu.memory_space<hbm>>) dst(%dma_wait3A_88 : memref<48x512xf32, #tpu.memory_space<vmem>>)
      %dma_wait3A_97 = arith.constant 0 : i32
      %dma_wait3A_98 = arith.constant 0 : i32
      %dma_wait3A_99 = arith.constant 48 : i32
      %dma_wait3A_100 = arith.constant 0 : i32
      %dma_wait3A_101 = tpu.memref_slice %arg7[%dma_wait3A_99, %dma_wait3A_100] : memref<88x512xf32, #tpu.memory_space<vmem>> -> memref<40x512xf32, #tpu.memory_space<vmem>>
      %dma_wait3A_102 = arith.constant 0 : i32
      %dma_wait3A_103 = tpu.memref_slice %arg6[%dma_wait3A_97, %dma_wait3A_98, %dma_wait3A_102] : memref<32x1x88xi32, #tpu.memory_space<vmem>> -> memref<1x1x88xi32, #tpu.memory_space<vmem>>
      %dma_wait3A_104 = tpu.memref_squeeze %dma_wait3A_103 : memref<1x1x88xi32, #tpu.memory_space<vmem>> -> memref<88xi32, #tpu.memory_space<vmem>>
      %dma_wait3A_105 = arith.constant 48 : i32
      %dma_wait3A_106 = tpu.memref_slice %dma_wait3A_104[%dma_wait3A_105] : memref<88xi32, #tpu.memory_space<vmem>> -> memref<40xi32, #tpu.memory_space<vmem>>
      %dma_wait3A_107 = arith.constant 0 : i32
      %dma_wait3A_108 = arith.constant 0 : i32
      %dma_wait3A_109 = tpu.memref_slice %arg2[%dma_wait3A_107, %dma_wait3A_108] : memref<49408x512xf32, #tpu.memory_space<hbm>> -> memref<49408x512xf32, #tpu.memory_space<hbm>>
      tpu.wait_indirect_dma semaphore(%arg10 : memref<!tpu.dma_semaphore, #tpu.memory_space<semaphore_mem>>) src(%dma_wait3A_109 : memref<49408x512xf32, #tpu.memory_space<hbm>>) dst(%dma_wait3A_101 : memref<40x512xf32, #tpu.memory_space<vmem>>)
      "tpu.region"() ({
        %run_scoped3A = tpu.sem_alloc : memref<!tpu.dma_semaphore, #tpu.memory_space<semaphore_mem>>
        %dma_start3A_143 = arith.constant 0 : i32
        %dma_start3A_144 = arith.constant 0 : i32
        %dma_start3A_145 = tpu.memref_slice %arg7[%dma_start3A_143, %dma_start3A_144] : memref<88x512xf32, #tpu.memory_space<vmem>> -> memref<5x512xf32, #tpu.memory_space<vmem>>
        %dma_start3A_146 = arith.constant 0 : i32
        %dma_start3A_147 = arith.constant 0 : i32
        %dma_start3A_148 = tpu.memref_slice %arg7[%dma_start3A_146, %dma_start3A_147] : memref<88x512xf32, #tpu.memory_space<vmem>> -> memref<5x512xf32, #tpu.memory_space<vmem>>
        tpu.enqueue_dma source(%arg3 : memref<5x512xf32, #tpu.memory_space<hbm>>) target(%dma_start3A_148 : memref<5x512xf32, #tpu.memory_space<vmem>>) target_semaphore(%run_scoped3A : memref<!tpu.dma_semaphore, #tpu.memory_space<semaphore_mem>>)
        %dma_wait3A_149 = arith.constant 0 : i32
        %dma_wait3A_150 = arith.constant 0 : i32
        %dma_wait3A_151 = tpu.memref_slice %arg7[%dma_wait3A_149, %dma_wait3A_150] : memref<88x512xf32, #tpu.memory_space<vmem>> -> memref<5x512xf32, #tpu.memory_space<vmem>>
        %dma_wait3A_152 = arith.constant 0 : i32
        %dma_wait3A_153 = arith.constant 0 : i32
        %dma_wait3A_154 = tpu.memref_slice %arg7[%dma_wait3A_152, %dma_wait3A_153] : memref<88x512xf32, #tpu.memory_space<vmem>> -> memref<5x512xf32, #tpu.memory_space<vmem>>
        tpu.wait_dma2 semaphore(%run_scoped3A : memref<!tpu.dma_semaphore, #tpu.memory_space<semaphore_mem>>) src(%arg3 : memref<5x512xf32, #tpu.memory_space<hbm>>) dst(%dma_wait3A_154 : memref<5x512xf32, #tpu.memory_space<vmem>>)
        tpu.yield
      }) : () -> ()
      %add3A_110 = arith.addi %mul3A_2, %mul3A_58 : i32
      "tpu.region"() ({
        %run_scoped3A = tpu.sem_alloc : memref<!tpu.dma_semaphore, #tpu.memory_space<semaphore_mem>>
        %dma_start3A_143 = arith.constant 0 : i32
        %dma_start3A_144 = arith.constant 0 : i32
        %dma_start3A_145 = tpu.memref_slice %arg7[%dma_start3A_143, %dma_start3A_144] : memref<88x512xf32, #tpu.memory_space<vmem>> -> memref<80x512xf32, #tpu.memory_space<vmem>>
        %dma_start3A_146 = arith.constant 0 : i32
        %dma_start3A_147 = arith.constant 0 : i32
        %dma_start3A_148 = tpu.memref_slice %arg5[%add3A_110, %dma_start3A_146, %dma_start3A_147] : memref<1000x82x512xf32, #tpu.memory_space<hbm>> -> memref<1x82x512xf32, #tpu.memory_space<hbm>>
        %dma_start3A_149 = tpu.memref_squeeze %dma_start3A_148 : memref<1x82x512xf32, #tpu.memory_space<hbm>> -> memref<82x512xf32, #tpu.memory_space<hbm>>
        %dma_start3A_150 = arith.constant 0 : i32
        %dma_start3A_151 = arith.constant 0 : i32
        %dma_start3A_152 = tpu.memref_slice %dma_start3A_149[%dma_start3A_150, %dma_start3A_151] : memref<82x512xf32, #tpu.memory_space<hbm>> -> memref<80x512xf32, #tpu.memory_space<hbm>>
        %dma_start3A_153 = arith.constant 0 : i32
        %dma_start3A_154 = arith.constant 0 : i32
        %dma_start3A_155 = tpu.memref_slice %arg5[%add3A_110, %dma_start3A_153, %dma_start3A_154] : memref<1000x82x512xf32, #tpu.memory_space<hbm>> -> memref<1x82x512xf32, #tpu.memory_space<hbm>>
        %dma_start3A_156 = tpu.memref_squeeze %dma_start3A_155 : memref<1x82x512xf32, #tpu.memory_space<hbm>> -> memref<82x512xf32, #tpu.memory_space<hbm>>
        %dma_start3A_157 = arith.constant 0 : i32
        %dma_start3A_158 = arith.constant 0 : i32
        %dma_start3A_159 = tpu.memref_slice %dma_start3A_156[%dma_start3A_157, %dma_start3A_158] : memref<82x512xf32, #tpu.memory_space<hbm>> -> memref<80x512xf32, #tpu.memory_space<hbm>>
        %dma_start3A_160 = arith.constant 0 : i32
        %dma_start3A_161 = arith.constant 0 : i32
        %dma_start3A_162 = tpu.memref_slice %arg7[%dma_start3A_160, %dma_start3A_161] : memref<88x512xf32, #tpu.memory_space<vmem>> -> memref<80x512xf32, #tpu.memory_space<vmem>>
        tpu.enqueue_dma source(%dma_start3A_162 : memref<80x512xf32, #tpu.memory_space<vmem>>) target(%dma_start3A_159 : memref<80x512xf32, #tpu.memory_space<hbm>>) target_semaphore(%run_scoped3A : memref<!tpu.dma_semaphore, #tpu.memory_space<semaphore_mem>>)
        %dma_wait3A_163 = arith.constant 0 : i32
        %dma_wait3A_164 = arith.constant 0 : i32
        %dma_wait3A_165 = tpu.memref_slice %arg7[%dma_wait3A_163, %dma_wait3A_164] : memref<88x512xf32, #tpu.memory_space<vmem>> -> memref<80x512xf32, #tpu.memory_space<vmem>>
        %dma_wait3A_166 = arith.constant 0 : i32
        %dma_wait3A_167 = arith.constant 0 : i32
        %dma_wait3A_168 = tpu.memref_slice %arg5[%add3A_110, %dma_wait3A_166, %dma_wait3A_167] : memref<1000x82x512xf32, #tpu.memory_space<hbm>> -> memref<1x82x512xf32, #tpu.memory_space<hbm>>
        %dma_wait3A_169 = tpu.memref_squeeze %dma_wait3A_168 : memref<1x82x512xf32, #tpu.memory_space<hbm>> -> memref<82x512xf32, #tpu.memory_space<hbm>>
        %dma_wait3A_170 = arith.constant 0 : i32
        %dma_wait3A_171 = arith.constant 0 : i32
        %dma_wait3A_172 = tpu.memref_slice %dma_wait3A_169[%dma_wait3A_170, %dma_wait3A_171] : memref<82x512xf32, #tpu.memory_space<hbm>> -> memref<80x512xf32, #tpu.memory_space<hbm>>
        %dma_wait3A_173 = arith.constant 0 : i32
        %dma_wait3A_174 = arith.constant 0 : i32
        %dma_wait3A_175 = tpu.memref_slice %arg5[%add3A_110, %dma_wait3A_173, %dma_wait3A_174] : memref<1000x82x512xf32, #tpu.memory_space<hbm>> -> memref<1x82x512xf32, #tpu.memory_space<hbm>>
        %dma_wait3A_176 = tpu.memref_squeeze %dma_wait3A_175 : memref<1x82x512xf32, #tpu.memory_space<hbm>> -> memref<82x512xf32, #tpu.memory_space<hbm>>
        %dma_wait3A_177 = arith.constant 0 : i32
        %dma_wait3A_178 = arith.constant 0 : i32
        %dma_wait3A_179 = tpu.memref_slice %dma_wait3A_176[%dma_wait3A_177, %dma_wait3A_178] : memref<82x512xf32, #tpu.memory_space<hbm>> -> memref<80x512xf32, #tpu.memory_space<hbm>>
        %dma_wait3A_180 = arith.constant 0 : i32
        %dma_wait3A_181 = arith.constant 0 : i32
        %dma_wait3A_182 = tpu.memref_slice %arg7[%dma_wait3A_180, %dma_wait3A_181] : memref<88x512xf32, #tpu.memory_space<vmem>> -> memref<80x512xf32, #tpu.memory_space<vmem>>
        tpu.wait_dma2 semaphore(%run_scoped3A : memref<!tpu.dma_semaphore, #tpu.memory_space<semaphore_mem>>) src(%dma_wait3A_182 : memref<80x512xf32, #tpu.memory_space<vmem>>) dst(%dma_wait3A_179 : memref<80x512xf32, #tpu.memory_space<hbm>>)
        tpu.yield
      }) : () -> ()
      "tpu.region"() ({
        %run_scoped3A = tpu.sem_alloc : memref<!tpu.dma_semaphore, #tpu.memory_space<semaphore_mem>>
        %dma_start3A_143 = arith.constant 80 : i32
        %dma_start3A_144 = arith.constant 0 : i32
        %dma_start3A_145 = tpu.memref_slice %arg7[%dma_start3A_143, %dma_start3A_144] : memref<88x512xf32, #tpu.memory_space<vmem>> -> memref<2x512xf32, #tpu.memory_space<vmem>>
        %dma_start3A_146 = arith.constant 0 : i32
        %dma_start3A_147 = arith.constant 0 : i32
        %dma_start3A_148 = tpu.memref_slice %arg5[%add3A_110, %dma_start3A_146, %dma_start3A_147] : memref<1000x82x512xf32, #tpu.memory_space<hbm>> -> memref<1x82x512xf32, #tpu.memory_space<hbm>>
        %dma_start3A_149 = tpu.memref_squeeze %dma_start3A_148 : memref<1x82x512xf32, #tpu.memory_space<hbm>> -> memref<82x512xf32, #tpu.memory_space<hbm>>
        %dma_start3A_150 = arith.constant 80 : i32
        %dma_start3A_151 = arith.constant 0 : i32
        %dma_start3A_152 = tpu.memref_slice %dma_start3A_149[%dma_start3A_150, %dma_start3A_151] : memref<82x512xf32, #tpu.memory_space<hbm>> -> memref<2x512xf32, #tpu.memory_space<hbm>>
        %dma_start3A_153 = arith.constant 0 : i32
        %dma_start3A_154 = arith.constant 0 : i32
        %dma_start3A_155 = tpu.memref_slice %arg5[%add3A_110, %dma_start3A_153, %dma_start3A_154] : memref<1000x82x512xf32, #tpu.memory_space<hbm>> -> memref<1x82x512xf32, #tpu.memory_space<hbm>>
        %dma_start3A_156 = tpu.memref_squeeze %dma_start3A_155 : memref<1x82x512xf32, #tpu.memory_space<hbm>> -> memref<82x512xf32, #tpu.memory_space<hbm>>
        %dma_start3A_157 = arith.constant 80 : i32
        %dma_start3A_158 = arith.constant 0 : i32
        %dma_start3A_159 = tpu.memref_slice %dma_start3A_156[%dma_start3A_157, %dma_start3A_158] : memref<82x512xf32, #tpu.memory_space<hbm>> -> memref<2x512xf32, #tpu.memory_space<hbm>>
        %dma_start3A_160 = arith.constant 80 : i32
        %dma_start3A_161 = arith.constant 0 : i32
        %dma_start3A_162 = tpu.memref_slice %arg7[%dma_start3A_160, %dma_start3A_161] : memref<88x512xf32, #tpu.memory_space<vmem>> -> memref<2x512xf32, #tpu.memory_space<vmem>>
        tpu.enqueue_dma source(%dma_start3A_162 : memref<2x512xf32, #tpu.memory_space<vmem>>) target(%dma_start3A_159 : memref<2x512xf32, #tpu.memory_space<hbm>>) target_semaphore(%run_scoped3A : memref<!tpu.dma_semaphore, #tpu.memory_space<semaphore_mem>>)
        %dma_wait3A_163 = arith.constant 80 : i32
        %dma_wait3A_164 = arith.constant 0 : i32
        %dma_wait3A_165 = tpu.memref_slice %arg7[%dma_wait3A_163, %dma_wait3A_164] : memref<88x512xf32, #tpu.memory_space<vmem>> -> memref<2x512xf32, #tpu.memory_space<vmem>>
        %dma_wait3A_166 = arith.constant 0 : i32
        %dma_wait3A_167 = arith.constant 0 : i32
        %dma_wait3A_168 = tpu.memref_slice %arg5[%add3A_110, %dma_wait3A_166, %dma_wait3A_167] : memref<1000x82x512xf32, #tpu.memory_space<hbm>> -> memref<1x82x512xf32, #tpu.memory_space<hbm>>
        %dma_wait3A_169 = tpu.memref_squeeze %dma_wait3A_168 : memref<1x82x512xf32, #tpu.memory_space<hbm>> -> memref<82x512xf32, #tpu.memory_space<hbm>>
        %dma_wait3A_170 = arith.constant 80 : i32
        %dma_wait3A_171 = arith.constant 0 : i32
        %dma_wait3A_172 = tpu.memref_slice %dma_wait3A_169[%dma_wait3A_170, %dma_wait3A_171] : memref<82x512xf32, #tpu.memory_space<hbm>> -> memref<2x512xf32, #tpu.memory_space<hbm>>
        %dma_wait3A_173 = arith.constant 0 : i32
        %dma_wait3A_174 = arith.constant 0 : i32
        %dma_wait3A_175 = tpu.memref_slice %arg5[%add3A_110, %dma_wait3A_173, %dma_wait3A_174] : memref<1000x82x512xf32, #tpu.memory_space<hbm>> -> memref<1x82x512xf32, #tpu.memory_space<hbm>>
        %dma_wait3A_176 = tpu.memref_squeeze %dma_wait3A_175 : memref<1x82x512xf32, #tpu.memory_space<hbm>> -> memref<82x512xf32, #tpu.memory_space<hbm>>
        %dma_wait3A_177 = arith.constant 80 : i32
        %dma_wait3A_178 = arith.constant 0 : i32
        %dma_wait3A_179 = tpu.memref_slice %dma_wait3A_176[%dma_wait3A_177, %dma_wait3A_178] : memref<82x512xf32, #tpu.memory_space<hbm>> -> memref<2x512xf32, #tpu.memory_space<hbm>>
        %dma_wait3A_180 = arith.constant 80 : i32
        %dma_wait3A_181 = arith.constant 0 : i32
        %dma_wait3A_182 = tpu.memref_slice %arg7[%dma_wait3A_180, %dma_wait3A_181] : memref<88x512xf32, #tpu.memory_space<vmem>> -> memref<2x512xf32, #tpu.memory_space<vmem>>
        tpu.wait_dma2 semaphore(%run_scoped3A : memref<!tpu.dma_semaphore, #tpu.memory_space<semaphore_mem>>) src(%dma_wait3A_182 : memref<2x512xf32, #tpu.memory_space<vmem>>) dst(%dma_wait3A_179 : memref<2x512xf32, #tpu.memory_space<hbm>>)
        tpu.yield
      }) : () -> ()
      %add3A_111 = arith.constant 2 : i32
      %add3A_112 = arith.addi %mul3A_58, %add3A_111 : i32
      %lt3A = arith.cmpi slt, %add3A_112, %min3A_4 : i32
      %convert_element_type3A = arith.extui %lt3A : i1 to i32
      %cond3A = arith.constant 0 : i32
      %cond3A_113 = arith.cmpi ne, %convert_element_type3A, %cond3A : i32
      scf.if %cond3A_113 {
        %add3A_143 = arith.constant 2 : i32
        %add3A_144 = arith.addi %mul3A_58, %add3A_143 : i32
        %dma_start3A_145 = arith.constant 0 : i32
        %dma_start3A_146 = arith.constant 0 : i32
        %dma_start3A_147 = arith.constant 0 : i32
        %dma_start3A_148 = tpu.memref_slice %arg7[%dma_start3A_146, %dma_start3A_147] : memref<88x512xf32, #tpu.memory_space<vmem>> -> memref<48x512xf32, #tpu.memory_space<vmem>>
        %dma_start3A_149 = arith.constant 0 : i32
        %dma_start3A_150 = tpu.memref_slice %arg6[%add3A_144, %dma_start3A_145, %dma_start3A_149] : memref<32x1x88xi32, #tpu.memory_space<vmem>> -> memref<1x1x88xi32, #tpu.memory_space<vmem>>
        %dma_start3A_151 = tpu.memref_squeeze %dma_start3A_150 : memref<1x1x88xi32, #tpu.memory_space<vmem>> -> memref<88xi32, #tpu.memory_space<vmem>>
        %dma_start3A_152 = arith.constant 0 : i32
        %dma_start3A_153 = tpu.memref_slice %dma_start3A_151[%dma_start3A_152] : memref<88xi32, #tpu.memory_space<vmem>> -> memref<48xi32, #tpu.memory_space<vmem>>
        %dma_start3A_154 = arith.constant 0 : i32
        %dma_start3A_155 = arith.constant 0 : i32
        %dma_start3A_156 = tpu.memref_slice %arg2[%dma_start3A_154, %dma_start3A_155] : memref<49408x512xf32, #tpu.memory_space<hbm>> -> memref<49408x512xf32, #tpu.memory_space<hbm>>
        tpu.enqueue_indirect_dma source(%dma_start3A_156 : memref<49408x512xf32, #tpu.memory_space<hbm>>) target(%dma_start3A_148 : memref<48x512xf32, #tpu.memory_space<vmem>>) offsets(%dma_start3A_153 : memref<48xi32, #tpu.memory_space<vmem>>) semaphore(%arg9 : memref<!tpu.dma_semaphore, #tpu.memory_space<semaphore_mem>>)
        %dma_start3A_157 = arith.constant 0 : i32
        %dma_start3A_158 = arith.constant 48 : i32
        %dma_start3A_159 = arith.constant 0 : i32
        %dma_start3A_160 = tpu.memref_slice %arg7[%dma_start3A_158, %dma_start3A_159] : memref<88x512xf32, #tpu.memory_space<vmem>> -> memref<40x512xf32, #tpu.memory_space<vmem>>
        %dma_start3A_161 = arith.constant 0 : i32
        %dma_start3A_162 = tpu.memref_slice %arg6[%add3A_144, %dma_start3A_157, %dma_start3A_161] : memref<32x1x88xi32, #tpu.memory_space<vmem>> -> memref<1x1x88xi32, #tpu.memory_space<vmem>>
        %dma_start3A_163 = tpu.memref_squeeze %dma_start3A_162 : memref<1x1x88xi32, #tpu.memory_space<vmem>> -> memref<88xi32, #tpu.memory_space<vmem>>
        %dma_start3A_164 = arith.constant 48 : i32
        %dma_start3A_165 = tpu.memref_slice %dma_start3A_163[%dma_start3A_164] : memref<88xi32, #tpu.memory_space<vmem>> -> memref<40xi32, #tpu.memory_space<vmem>>
        %dma_start3A_166 = arith.constant 0 : i32
        %dma_start3A_167 = arith.constant 0 : i32
        %dma_start3A_168 = tpu.memref_slice %arg2[%dma_start3A_166, %dma_start3A_167] : memref<49408x512xf32, #tpu.memory_space<hbm>> -> memref<49408x512xf32, #tpu.memory_space<hbm>>
        tpu.enqueue_indirect_dma source(%dma_start3A_168 : memref<49408x512xf32, #tpu.memory_space<hbm>>) target(%dma_start3A_160 : memref<40x512xf32, #tpu.memory_space<vmem>>) offsets(%dma_start3A_165 : memref<40xi32, #tpu.memory_space<vmem>>) semaphore(%arg10 : memref<!tpu.dma_semaphore, #tpu.memory_space<semaphore_mem>>)
      } else {
      }
      %dma_wait3A_114 = arith.constant 0 : i32
      %dma_wait3A_115 = arith.constant 0 : i32
      %dma_wait3A_116 = arith.constant 0 : i32
      %dma_wait3A_117 = arith.constant 0 : i32
      %dma_wait3A_118 = tpu.memref_slice %arg8[%dma_wait3A_116, %dma_wait3A_117] : memref<88x512xf32, #tpu.memory_space<vmem>> -> memref<48x512xf32, #tpu.memory_space<vmem>>
      %dma_wait3A_119 = arith.constant 0 : i32
      %dma_wait3A_120 = tpu.memref_slice %arg6[%dma_wait3A_114, %dma_wait3A_115, %dma_wait3A_119] : memref<32x1x88xi32, #tpu.memory_space<vmem>> -> memref<1x1x88xi32, #tpu.memory_space<vmem>>
      %dma_wait3A_121 = tpu.memref_squeeze %dma_wait3A_120 : memref<1x1x88xi32, #tpu.memory_space<vmem>> -> memref<88xi32, #tpu.memory_space<vmem>>
      %dma_wait3A_122 = arith.constant 0 : i32
      %dma_wait3A_123 = tpu.memref_slice %dma_wait3A_121[%dma_wait3A_122] : memref<88xi32, #tpu.memory_space<vmem>> -> memref<48xi32, #tpu.memory_space<vmem>>
      %dma_wait3A_124 = arith.constant 0 : i32
      %dma_wait3A_125 = arith.constant 0 : i32
      %dma_wait3A_126 = tpu.memref_slice %arg2[%dma_wait3A_124, %dma_wait3A_125] : memref<49408x512xf32, #tpu.memory_space<hbm>> -> memref<49408x512xf32, #tpu.memory_space<hbm>>
      tpu.wait_indirect_dma semaphore(%arg11 : memref<!tpu.dma_semaphore, #tpu.memory_space<semaphore_mem>>) src(%dma_wait3A_126 : memref<49408x512xf32, #tpu.memory_space<hbm>>) dst(%dma_wait3A_118 : memref<48x512xf32, #tpu.memory_space<vmem>>)
      %dma_wait3A_127 = arith.constant 0 : i32
      %dma_wait3A_128 = arith.constant 0 : i32
      %dma_wait3A_129 = arith.constant 48 : i32
      %dma_wait3A_130 = arith.constant 0 : i32
      %dma_wait3A_131 = tpu.memref_slice %arg8[%dma_wait3A_129, %dma_wait3A_130] : memref<88x512xf32, #tpu.memory_space<vmem>> -> memref<40x512xf32, #tpu.memory_space<vmem>>
      %dma_wait3A_132 = arith.constant 0 : i32
      %dma_wait3A_133 = tpu.memref_slice %arg6[%dma_wait3A_127, %dma_wait3A_128, %dma_wait3A_132] : memref<32x1x88xi32, #tpu.memory_space<vmem>> -> memref<1x1x88xi32, #tpu.memory_space<vmem>>
      %dma_wait3A_134 = tpu.memref_squeeze %dma_wait3A_133 : memref<1x1x88xi32, #tpu.memory_space<vmem>> -> memref<88xi32, #tpu.memory_space<vmem>>
      %dma_wait3A_135 = arith.constant 48 : i32
      %dma_wait3A_136 = tpu.memref_slice %dma_wait3A_134[%dma_wait3A_135] : memref<88xi32, #tpu.memory_space<vmem>> -> memref<40xi32, #tpu.memory_space<vmem>>
      %dma_wait3A_137 = arith.constant 0 : i32
      %dma_wait3A_138 = arith.constant 0 : i32
      %dma_wait3A_139 = tpu.memref_slice %arg2[%dma_wait3A_137, %dma_wait3A_138] : memref<49408x512xf32, #tpu.memory_space<hbm>> -> memref<49408x512xf32, #tpu.memory_space<hbm>>
      tpu.wait_indirect_dma semaphore(%arg12 : memref<!tpu.dma_semaphore, #tpu.memory_space<semaphore_mem>>) src(%dma_wait3A_139 : memref<49408x512xf32, #tpu.memory_space<hbm>>) dst(%dma_wait3A_131 : memref<40x512xf32, #tpu.memory_space<vmem>>)
      %add3A_140 = arith.constant 1 : i32
      %add3A_141 = arith.addi %mul3A_58, %add3A_140 : i32
      "tpu.region"() ({
        %run_scoped3A = tpu.sem_alloc : memref<!tpu.dma_semaphore, #tpu.memory_space<semaphore_mem>>
        %dma_start3A_143 = arith.constant 0 : i32
        %dma_start3A_144 = arith.constant 0 : i32
        %dma_start3A_145 = tpu.memref_slice %arg8[%dma_start3A_143, %dma_start3A_144] : memref<88x512xf32, #tpu.memory_space<vmem>> -> memref<5x512xf32, #tpu.memory_space<vmem>>
        %dma_start3A_146 = arith.constant 0 : i32
        %dma_start3A_147 = arith.constant 0 : i32
        %dma_start3A_148 = tpu.memref_slice %arg8[%dma_start3A_146, %dma_start3A_147] : memref<88x512xf32, #tpu.memory_space<vmem>> -> memref<5x512xf32, #tpu.memory_space<vmem>>
        tpu.enqueue_dma source(%arg3 : memref<5x512xf32, #tpu.memory_space<hbm>>) target(%dma_start3A_148 : memref<5x512xf32, #tpu.memory_space<vmem>>) target_semaphore(%run_scoped3A : memref<!tpu.dma_semaphore, #tpu.memory_space<semaphore_mem>>)
        %dma_wait3A_149 = arith.constant 0 : i32
        %dma_wait3A_150 = arith.constant 0 : i32
        %dma_wait3A_151 = tpu.memref_slice %arg8[%dma_wait3A_149, %dma_wait3A_150] : memref<88x512xf32, #tpu.memory_space<vmem>> -> memref<5x512xf32, #tpu.memory_space<vmem>>
        %dma_wait3A_152 = arith.constant 0 : i32
        %dma_wait3A_153 = arith.constant 0 : i32
        %dma_wait3A_154 = tpu.memref_slice %arg8[%dma_wait3A_152, %dma_wait3A_153] : memref<88x512xf32, #tpu.memory_space<vmem>> -> memref<5x512xf32, #tpu.memory_space<vmem>>
        tpu.wait_dma2 semaphore(%run_scoped3A : memref<!tpu.dma_semaphore, #tpu.memory_space<semaphore_mem>>) src(%arg3 : memref<5x512xf32, #tpu.memory_space<hbm>>) dst(%dma_wait3A_154 : memref<5x512xf32, #tpu.memory_space<vmem>>)
        tpu.yield
      }) : () -> ()
      %add3A_142 = arith.addi %mul3A_2, %add3A_141 : i32
      "tpu.region"() ({
        %run_scoped3A = tpu.sem_alloc : memref<!tpu.dma_semaphore, #tpu.memory_space<semaphore_mem>>
        %dma_start3A_143 = arith.constant 0 : i32
        %dma_start3A_144 = arith.constant 0 : i32
        %dma_start3A_145 = tpu.memref_slice %arg8[%dma_start3A_143, %dma_start3A_144] : memref<88x512xf32, #tpu.memory_space<vmem>> -> memref<80x512xf32, #tpu.memory_space<vmem>>
        %dma_start3A_146 = arith.constant 0 : i32
        %dma_start3A_147 = arith.constant 0 : i32
        %dma_start3A_148 = tpu.memref_slice %arg5[%add3A_142, %dma_start3A_146, %dma_start3A_147] : memref<1000x82x512xf32, #tpu.memory_space<hbm>> -> memref<1x82x512xf32, #tpu.memory_space<hbm>>
        %dma_start3A_149 = tpu.memref_squeeze %dma_start3A_148 : memref<1x82x512xf32, #tpu.memory_space<hbm>> -> memref<82x512xf32, #tpu.memory_space<hbm>>
        %dma_start3A_150 = arith.constant 0 : i32
        %dma_start3A_151 = arith.constant 0 : i32
        %dma_start3A_152 = tpu.memref_slice %dma_start3A_149[%dma_start3A_150, %dma_start3A_151] : memref<82x512xf32, #tpu.memory_space<hbm>> -> memref<80x512xf32, #tpu.memory_space<hbm>>
        %dma_start3A_153 = arith.constant 0 : i32
        %dma_start3A_154 = arith.constant 0 : i32
        %dma_start3A_155 = tpu.memref_slice %arg5[%add3A_142, %dma_start3A_153, %dma_start3A_154] : memref<1000x82x512xf32, #tpu.memory_space<hbm>> -> memref<1x82x512xf32, #tpu.memory_space<hbm>>
        %dma_start3A_156 = tpu.memref_squeeze %dma_start3A_155 : memref<1x82x512xf32, #tpu.memory_space<hbm>> -> memref<82x512xf32, #tpu.memory_space<hbm>>
        %dma_start3A_157 = arith.constant 0 : i32
        %dma_start3A_158 = arith.constant 0 : i32
        %dma_start3A_159 = tpu.memref_slice %dma_start3A_156[%dma_start3A_157, %dma_start3A_158] : memref<82x512xf32, #tpu.memory_space<hbm>> -> memref<80x512xf32, #tpu.memory_space<hbm>>
        %dma_start3A_160 = arith.constant 0 : i32
        %dma_start3A_161 = arith.constant 0 : i32
        %dma_start3A_162 = tpu.memref_slice %arg8[%dma_start3A_160, %dma_start3A_161] : memref<88x512xf32, #tpu.memory_space<vmem>> -> memref<80x512xf32, #tpu.memory_space<vmem>>
        tpu.enqueue_dma source(%dma_start3A_162 : memref<80x512xf32, #tpu.memory_space<vmem>>) target(%dma_start3A_159 : memref<80x512xf32, #tpu.memory_space<hbm>>) target_semaphore(%run_scoped3A : memref<!tpu.dma_semaphore, #tpu.memory_space<semaphore_mem>>)
        %dma_wait3A_163 = arith.constant 0 : i32
        %dma_wait3A_164 = arith.constant 0 : i32
        %dma_wait3A_165 = tpu.memref_slice %arg8[%dma_wait3A_163, %dma_wait3A_164] : memref<88x512xf32, #tpu.memory_space<vmem>> -> memref<80x512xf32, #tpu.memory_space<vmem>>
        %dma_wait3A_166 = arith.constant 0 : i32
        %dma_wait3A_167 = arith.constant 0 : i32
        %dma_wait3A_168 = tpu.memref_slice %arg5[%add3A_142, %dma_wait3A_166, %dma_wait3A_167] : memref<1000x82x512xf32, #tpu.memory_space<hbm>> -> memref<1x82x512xf32, #tpu.memory_space<hbm>>
        %dma_wait3A_169 = tpu.memref_squeeze %dma_wait3A_168 : memref<1x82x512xf32, #tpu.memory_space<hbm>> -> memref<82x512xf32, #tpu.memory_space<hbm>>
        %dma_wait3A_170 = arith.constant 0 : i32
        %dma_wait3A_171 = arith.constant 0 : i32
        %dma_wait3A_172 = tpu.memref_slice %dma_wait3A_169[%dma_wait3A_170, %dma_wait3A_171] : memref<82x512xf32, #tpu.memory_space<hbm>> -> memref<80x512xf32, #tpu.memory_space<hbm>>
        %dma_wait3A_173 = arith.constant 0 : i32
        %dma_wait3A_174 = arith.constant 0 : i32
        %dma_wait3A_175 = tpu.memref_slice %arg5[%add3A_142, %dma_wait3A_173, %dma_wait3A_174] : memref<1000x82x512xf32, #tpu.memory_space<hbm>> -> memref<1x82x512xf32, #tpu.memory_space<hbm>>
        %dma_wait3A_176 = tpu.memref_squeeze %dma_wait3A_175 : memref<1x82x512xf32, #tpu.memory_space<hbm>> -> memref<82x512xf32, #tpu.memory_space<hbm>>
        %dma_wait3A_177 = arith.constant 0 : i32
        %dma_wait3A_178 = arith.constant 0 : i32
        %dma_wait3A_179 = tpu.memref_slice %dma_wait3A_176[%dma_wait3A_177, %dma_wait3A_178] : memref<82x512xf32, #tpu.memory_space<hbm>> -> memref<80x512xf32, #tpu.memory_space<hbm>>
        %dma_wait3A_180 = arith.constant 0 : i32
        %dma_wait3A_181 = arith.constant 0 : i32
        %dma_wait3A_182 = tpu.memref_slice %arg8[%dma_wait3A_180, %dma_wait3A_181] : memref<88x512xf32, #tpu.memory_space<vmem>> -> memref<80x512xf32, #tpu.memory_space<vmem>>
        tpu.wait_dma2 semaphore(%run_scoped3A : memref<!tpu.dma_semaphore, #tpu.memory_space<semaphore_mem>>) src(%dma_wait3A_182 : memref<80x512xf32, #tpu.memory_space<vmem>>) dst(%dma_wait3A_179 : memref<80x512xf32, #tpu.memory_space<hbm>>)
        tpu.yield
      }) : () -> ()
      "tpu.region"() ({
        %run_scoped3A = tpu.sem_alloc : memref<!tpu.dma_semaphore, #tpu.memory_space<semaphore_mem>>
        %dma_start3A_143 = arith.constant 80 : i32
        %dma_start3A_144 = arith.constant 0 : i32
        %dma_start3A_145 = tpu.memref_slice %arg8[%dma_start3A_143, %dma_start3A_144] : memref<88x512xf32, #tpu.memory_space<vmem>> -> memref<2x512xf32, #tpu.memory_space<vmem>>
        %dma_start3A_146 = arith.constant 0 : i32
        %dma_start3A_147 = arith.constant 0 : i32
        %dma_start3A_148 = tpu.memref_slice %arg5[%add3A_142, %dma_start3A_146, %dma_start3A_147] : memref<1000x82x512xf32, #tpu.memory_space<hbm>> -> memref<1x82x512xf32, #tpu.memory_space<hbm>>
        %dma_start3A_149 = tpu.memref_squeeze %dma_start3A_148 : memref<1x82x512xf32, #tpu.memory_space<hbm>> -> memref<82x512xf32, #tpu.memory_space<hbm>>
        %dma_start3A_150 = arith.constant 80 : i32
        %dma_start3A_151 = arith.constant 0 : i32
        %dma_start3A_152 = tpu.memref_slice %dma_start3A_149[%dma_start3A_150, %dma_start3A_151] : memref<82x512xf32, #tpu.memory_space<hbm>> -> memref<2x512xf32, #tpu.memory_space<hbm>>
        %dma_start3A_153 = arith.constant 0 : i32
        %dma_start3A_154 = arith.constant 0 : i32
        %dma_start3A_155 = tpu.memref_slice %arg5[%add3A_142, %dma_start3A_153, %dma_start3A_154] : memref<1000x82x512xf32, #tpu.memory_space<hbm>> -> memref<1x82x512xf32, #tpu.memory_space<hbm>>
        %dma_start3A_156 = tpu.memref_squeeze %dma_start3A_155 : memref<1x82x512xf32, #tpu.memory_space<hbm>> -> memref<82x512xf32, #tpu.memory_space<hbm>>
        %dma_start3A_157 = arith.constant 80 : i32
        %dma_start3A_158 = arith.constant 0 : i32
        %dma_start3A_159 = tpu.memref_slice %dma_start3A_156[%dma_start3A_157, %dma_start3A_158] : memref<82x512xf32, #tpu.memory_space<hbm>> -> memref<2x512xf32, #tpu.memory_space<hbm>>
        %dma_start3A_160 = arith.constant 80 : i32
        %dma_start3A_161 = arith.constant 0 : i32
        %dma_start3A_162 = tpu.memref_slice %arg8[%dma_start3A_160, %dma_start3A_161] : memref<88x512xf32, #tpu.memory_space<vmem>> -> memref<2x512xf32, #tpu.memory_space<vmem>>
        tpu.enqueue_dma source(%dma_start3A_162 : memref<2x512xf32, #tpu.memory_space<vmem>>) target(%dma_start3A_159 : memref<2x512xf32, #tpu.memory_space<hbm>>) target_semaphore(%run_scoped3A : memref<!tpu.dma_semaphore, #tpu.memory_space<semaphore_mem>>)
        %dma_wait3A_163 = arith.constant 80 : i32
        %dma_wait3A_164 = arith.constant 0 : i32
        %dma_wait3A_165 = tpu.memref_slice %arg8[%dma_wait3A_163, %dma_wait3A_164] : memref<88x512xf32, #tpu.memory_space<vmem>> -> memref<2x512xf32, #tpu.memory_space<vmem>>
        %dma_wait3A_166 = arith.constant 0 : i32
        %dma_wait3A_167 = arith.constant 0 : i32
        %dma_wait3A_168 = tpu.memref_slice %arg5[%add3A_142, %dma_wait3A_166, %dma_wait3A_167] : memref<1000x82x512xf32, #tpu.memory_space<hbm>> -> memref<1x82x512xf32, #tpu.memory_space<hbm>>
        %dma_wait3A_169 = tpu.memref_squeeze %dma_wait3A_168 : memref<1x82x512xf32, #tpu.memory_space<hbm>> -> memref<82x512xf32, #tpu.memory_space<hbm>>
        %dma_wait3A_170 = arith.constant 80 : i32
        %dma_wait3A_171 = arith.constant 0 : i32
        %dma_wait3A_172 = tpu.memref_slice %dma_wait3A_169[%dma_wait3A_170, %dma_wait3A_171] : memref<82x512xf32, #tpu.memory_space<hbm>> -> memref<2x512xf32, #tpu.memory_space<hbm>>
        %dma_wait3A_173 = arith.constant 0 : i32
        %dma_wait3A_174 = arith.constant 0 : i32
        %dma_wait3A_175 = tpu.memref_slice %arg5[%add3A_142, %dma_wait3A_173, %dma_wait3A_174] : memref<1000x82x512xf32, #tpu.memory_space<hbm>> -> memref<1x82x512xf32, #tpu.memory_space<hbm>>
        %dma_wait3A_176 = tpu.memref_squeeze %dma_wait3A_175 : memref<1x82x512xf32, #tpu.memory_space<hbm>> -> memref<82x512xf32, #tpu.memory_space<hbm>>
        %dma_wait3A_177 = arith.constant 80 : i32
        %dma_wait3A_178 = arith.constant 0 : i32
        %dma_wait3A_179 = tpu.memref_slice %dma_wait3A_176[%dma_wait3A_177, %dma_wait3A_178] : memref<82x512xf32, #tpu.memory_space<hbm>> -> memref<2x512xf32, #tpu.memory_space<hbm>>
        %dma_wait3A_180 = arith.constant 80 : i32
        %dma_wait3A_181 = arith.constant 0 : i32
        %dma_wait3A_182 = tpu.memref_slice %arg8[%dma_wait3A_180, %dma_wait3A_181] : memref<88x512xf32, #tpu.memory_space<vmem>> -> memref<2x512xf32, #tpu.memory_space<vmem>>
        tpu.wait_dma2 semaphore(%run_scoped3A : memref<!tpu.dma_semaphore, #tpu.memory_space<semaphore_mem>>) src(%dma_wait3A_182 : memref<2x512xf32, #tpu.memory_space<vmem>>) dst(%dma_wait3A_179 : memref<2x512xf32, #tpu.memory_space<hbm>>)
        tpu.yield
      }) : () -> ()
    }
    return
  }
}

</mosaic_0001>

<sc_bundles>
// kernel: kernel.3.cloned.1.call-start
scs
__scs_entry_jumppad:
0x0: {  	(pc) =	sbr.rel $0x88, $3  }
0x1: {  	(tag) =	ssettag $0x0;
	lr =	simm.s32 $0x1  }
0x2: {  	[smem:$0x3F9E] =	sst lr;
	_ =	strace $0xD0000000  }
0x3: {  	_ = 	snop  }
0x4: {  	_ = 	snop  }
0x5: {  	_ = 	snop  }
0x6: {  	_ = 	snop  }
0x7: {  	_ = 	snop  }
__scs_overlays_trampoline_lowered:
0x8: {  	[smem:$0x3FAD] =	sst s0  }
0x9: {  	[smem:$0x3FAE] =	sst s1  }
0xa: {  	[smem:$0x3FAF] =	sst s2  }
0xb: {  	[smem:$0x3FB0] =	sst s3  }
0xc: {  	[smem:$0x3FB1] =	sst s4  }
0xd: {  	[smem:$0x3FB2] =	sst s5  }
0xe: {  	[smem:$0x3FB3] =	sst s6  }
0xf: {  	[smem:$0x3FB4] =	sst s7  }
0x10: {  	[smem:$0x3FB5] =	sst s8  }
0x11: {  	[smem:$0x3FB6] =	sst s9;
	s0 =	simm.s32 @!p0 $0x0  }
0x12: {  	s1 =	sld [smem:$0x3F9C];
	s0 =	simm.s32 @p0 $0x1  }
0x13: {  	[smem:$0x3FB7] =	sst s0;
	s0 =	simm.s32 @!p1 $0x0  }
0x14: {  	s2 =	sld [smem:$0x3F9B];
	s0 =	simm.s32 @p1 $0x1  }
0x15: {  	[smem:$0x3FB8] =	sst s0;
	s0 =	simm.s32 @!p2 $0x0  }
0x16: {  	s3 =	sld [smem:$0x3FDB];
	s0 =	simm.s32 @p2 $0x1  }
0x17: {  	s4 =	simm.s32 $0x1BF5;
	[smem:$0x3FBA] =	sst s0  }
0x18: {  	s0 =	sld [smem:$0x3F9D];
	_ =	swait.ge [sflag:s4], $0x0  }
0x19: {  	s7 =	sld [smem:$0x3F9E]  }
0x1a: {  	s8 =	sadd.s32 $0xFFFFE003, lr  }
0x1b: {  	s9 =	sadd.s32 $0xFFFFFEF7, lr;
	s5 =	simm.s32 $0xFFFFFFFF;
	p2 =	slt.u32 s8, $0xFFFFF086  }
0x1c: {  	p1 =	slt.u32 s9, $0xF7A;
	s5 =	simm.s32 @!p2 $0x0  }
0x1d: {  	s5 =	simm.s32 @p1 $0x1;
	p0 =	seq.s32 s7, s2  }
0x1e: {  	s7 =	smul.u32 @!p0 $0xF7A, s2;
	p2 =	seq.s32 @!p0 s5, $0x0  }
0x1f: {  	s9 =	smul.u32 $0xF7A, s1;
	s8 =	simm.s32 @!p0 $0x1BF5;
	p2 =	por !p2, p0  }
0x20: {  	[sflag:s8] =	ssyncset.s32 @!p0 $0xFFFFF086;
	s6 =	sadd.s32 @!p0 s3, s7;
	s7 =	simm.s32 @!p0 $0x108  }
0x21: {  	s3 =	sadd.s32 s3, s9;
	s6 =	sadd.s32 @!p0 $0x88, s6;
	s7 =	simm.s32 @p2 $0x1082  }
0x22: {  	[simem:s7], [sflag:s8] =	dma.local @!p0 [hbm:s6], $0xF7A  }
0x23: {  	s9 =	sor.u32 $0xD0000000, s2;
	s6 =	simm.s32 $0x108;
	_ =	swait.ge @!p0 [sflag:s8], $0x0  }
0x24: {  	s3 =	sadd.s32 $0x88, s3;
	s6 =	simm.s32 @!p1 $0x1082;
	[sflag:s4] =	ssyncset.s32 $0xFFFFF086  }
0x25: {  	[simem:s6], [sflag:s4] =	dma.local [hbm:s3], $0xF7A  }
0x26: {  	[smem:$0x3F9E] =	sst s1;
	(tag) =	ssettag s2;
	_ =	strace s9  }
0x27: {  	s1 =	sld [smem:$0x3FAE]  }
0x28: {  	s2 =	sld [smem:$0x3FAF]  }
0x29: {  	s4 =	sld [smem:$0x3FB1]  }
0x2a: {  	p0 =	seq.s32 s5, $0x0;
	s5 =	sld [smem:$0x3FB2]  }
0x2b: {  	s6 =	sld [smem:$0x3FB3]  }
0x2c: {  	s7 =	sld [smem:$0x3FB4]  }
0x2d: {  	s3 =	simm.s32 $0x108;
	s8 =	sld [smem:$0x3FB5]  }
0x2e: {  	s3 =	simm.s32 @!p0 $0x1082;
	s9 =	sld [smem:$0x3FB6]  }
0x2f: {  	lr =	sadd.s32 s0, s3;
	s0 =	sld [smem:$0x3FAD]  }
0x30: {  	s3 =	sld [smem:$0x3FB0]  }
0x31: {  	[smem:$0x3FB9] =	sst s10  }
0x32: {  	s10 =	sld [smem:$0x3FB7];
	_ =	sdelay $0x3  }
0x33: {  	p0 =	seq.s32 s10, $0x1;
	s10 =	sld [smem:$0x3FB9];
	_ =	sdelay $0x3  }
0x34: {  	[smem:$0x3FB9] =	sst s10  }
0x35: {  	s10 =	sld [smem:$0x3FB8];
	_ =	sdelay $0x3  }
0x36: {  	p1 =	seq.s32 s10, $0x1;
	s10 =	sld [smem:$0x3FB9];
	_ =	sdelay $0x3  }
0x37: {  	[smem:$0x3FB9] =	sst s10  }
0x38: {  	s10 =	sld [smem:$0x3FBA]  }
0x39: {  	_ = 	snop;
	(pc) =	sbr.ind lr, $3  }
0x3a: {  	_ = 	snop  }
0x3b: {  	_ = 	snop  }
0x3c: {  	p2 =	seq.s32 s10, $0x1;
	s10 =	sld [smem:$0x3FB9]  }
0x3d: {  	_ =	shalt  }
0x3e: {  	_ =	shalt  }
0x3f: {  	_ =	shalt  }
0x40: {  	_ =	shalt  }
0x41: {  	_ =	shalt  }
0x42: {  	_ =	shalt  }
0x43: {  	_ =	shalt  }
0x44: {  	_ =	shalt  }
0x45: {  	_ =	shalt  }
0x46: {  	_ =	shalt  }
0x47: {  	_ =	shalt  }
0x48: {  	_ =	shalt  }
0x49: {  	_ =	shalt  }
0x4a: {  	_ =	shalt  }
0x4b: {  	_ =	shalt  }
0x4c: {  	_ =	shalt  }
0x4d: {  	_ =	shalt  }
0x4e: {  	_ =	shalt  }
0x4f: {  	_ =	shalt  }
0x50: {  	_ =	shalt  }
0x51: {  	_ =	shalt  }
0x52: {  	_ =	shalt  }
0x53: {  	_ =	shalt  }
0x54: {  	_ =	shalt  }
0x55: {  	_ =	shalt  }
0x56: {  	_ =	shalt  }
0x57: {  	_ =	shalt  }
0x58: {  	_ =	shalt  }
0x59: {  	_ =	shalt  }
0x5a: {  	_ =	shalt  }
0x5b: {  	_ =	shalt  }
0x5c: {  	_ =	shalt  }
0x5d: {  	_ =	shalt  }
0x5e: {  	_ =	shalt  }
0x5f: {  	_ =	shalt  }
0x60: {  	_ =	shalt  }
0x61: {  	_ =	shalt  }
0x62: {  	_ =	shalt  }
0x63: {  	_ =	shalt  }
0x64: {  	_ =	shalt  }
0x65: {  	_ =	shalt  }
0x66: {  	_ =	shalt  }
0x67: {  	_ =	shalt  }
0x68: {  	_ =	shalt  }
0x69: {  	_ =	shalt  }
0x6a: {  	_ =	shalt  }
0x6b: {  	_ =	shalt  }
0x6c: {  	_ =	shalt  }
0x6d: {  	_ =	shalt  }
0x6e: {  	_ =	shalt  }
0x6f: {  	_ =	shalt  }
0x70: {  	_ =	shalt  }
0x71: {  	_ =	shalt  }
0x72: {  	_ =	shalt  }
0x73: {  	_ =	shalt  }
0x74: {  	_ =	shalt  }
0x75: {  	_ =	shalt  }
0x76: {  	_ =	shalt  }
0x77: {  	_ =	shalt  }
0x78: {  	_ =	shalt  }
0x79: {  	_ =	shalt  }
0x7a: {  	_ =	shalt  }
0x7b: {  	_ =	shalt  }
0x7c: {  	_ =	shalt  }
0x7d: {  	_ =	shalt  }
0x7e: {  	_ =	shalt  }
0x7f: {  	_ =	shalt  }
0x80: {  	_ =	shalt  }
0x81: {  	_ =	shalt  }
0x82: {  	_ =	shalt  }
0x83: {  	_ =	shalt  }
0x84: {  	_ =	shalt  }
0x85: {  	_ =	shalt  }
0x86: {  	_ =	shalt  }
0x87: {  	_ =	shalt  }
.Lfunc_end0:
.L_simem_size_0:
called_computation_lowered:
.L_overlay_start_0:
0x88: {  	s2 =	sld [smem:$0x3FD9]  }
0x89: {  	s3 =	sld [smem:$0x3FFE];
	_ =	sdelay $0x1  }
0x8a: {  	s1 =	srdreg.scid  }
0x8b: {  	s0 =	sand.u32 $0x1, s1  }
0x8c: {  	s17 =	sshll.u32 s0, $0xA;
	s2 =	sadd.s32 s3, s2  }
0x8d: {  	s2 =	sadd.s32 s2, s17  }
0x8e: {  	[smem:$0x3FC5] =	sst s2  }
0x8f: {  	_ = 	snop  }
0x90: {  	s2 =	sld [smem:$0x3FC9]  }
0x91: {  	s18 =	sld [smem:$0x3FD0];
	(tm) =	ssettm $0x1  }
0x92: {  	s4 =	sld [smem:$0x3FFB];
	_ =	sdelay $0x3  }
0x93: {  	_ =	strace s4  }
0x94: {  	s4 =	sld [smem:$0x3FFC];
	_ =	sdelay $0x3  }
0x95: {  	_ =	strace s4  }
0x96: {  	s4 =	sld [smem:$0x3FFD];
	_ =	sdelay $0x3  }
0x97: {  	_ =	strace s4  }
0x98: {  	_ =	strace $0x8FFFFFFF  }
0x99: {  	s19 =	sld [smem:$0x3FDB];
	_ =	sdelay $0x1  }
0x9a: {  	s5 =	simm.s32 $_scs_section_size  }
0x9b: {  	s6 =	simm.s32 $_size__tile_overlayer_lowered;
	s7 =	simm.s32 $_tile_overlayer_lowered  }
0x9c: {  	s22 =	simm.s32 $0x1BFF;
	s21 =	sshll.u32 s7, $0x1;
	s4 =	sadd.s32 s5, s19  }
0x9d: {  	s8 =	simm.s32 $0x0;
	s20 =	sshll.u32 s6, $0x1;
	s6 =	sadd.s32 s21, s4  }
0x9e: {  	[timem:s8], [sflag:s22] =	dma.local [hbm:s6], s20  }
0x9f: {  	_ =	swait.ge [sflag:s22], s20  }
0xa0: {  	s5 =	ssub.s32 $0x0, s20;
	[sflag:s22] =	ssyncset.done $0x0  }
0xa1: {  	[sflag:s22] =	ssyncadd.s32 s5;
	_ =	sdelay $0x1  }
0xa2: {  	s23 =	simm.s32 $0x1B8B  }
0xa3: {  	_ =	swait.ge [sflag:s23], $0x1  }
0xa4: {  	[sflag:s23] =	ssyncset.done $0x0  }
0xa5: {  	s25 =	simm.s32 $0x1B8E;
	s24 =	sld [smem:$0x3FFE];
	[sflag:s23] =	ssyncadd.s32 $0xFFFFFFFF  }
0xa6: {  	s26 =	simm.s32 $execute0_lowered;
	[smem:$0x3FD2] =	sst s25  }
0xa7: {  	s6 =	sshll.u32 s26, $0x1;
	_ =	strace $0x80000046;
	[dreg:$0x1] =	wrdreg $0xFFFFFFFF  }
0xa8: {  	s28 =	simm.s32 $_size_execute0_lowered;
	s4 =	sadd.s32 s4, s6;
	[dreg:$0x0] =	wrdreg $0x0  }
0xa9: {  	s6 =	sshll.u32 s28, $0x1;
	[dreg:$0x2] =	wrdreg s4  }
0xaa: {  	[dreg:$0x3] =	wrdreg s6  }
0xab: {  	[dreg:$0x4] =	wrdreg $0xC0  }
0xac: {  	_ =	task [dreg:s8], $0x5FFFF  }
0xad: {  	[dreg:$0x1] =	wrdreg $0xFFFFFFFF  }
0xae: {  	[dreg:$0x0] =	wrdreg $0x60  }
0xaf: {  	[dreg:$0x2] =	wrdreg s2  }
0xb0: {  	[dreg:$0x3] =	wrdreg s24  }
0xb1: {  	[dreg:$0x4] =	wrdreg s18  }
0xb2: {  	[dreg:$0x5] =	wrdreg $0x9  }
0xb3: {  	_ =	task.clear_ibuf [dreg:s8], $0x6FFFF;
	_ =	strace $0x90000046  }
0xb4: {  	s29 =	simm.s32 $0x9;
	_ =	strace $0x80000048  }
0xb5: {  	_ =	swait.ge [sflag:s29], $0x1  }
0xb6: {  	[sflag:s29] =	ssyncadd.s32 $0xFFFFFFFF  }
0xb7: {  	_ =	strace $0x90000048  }
0xb8: {  	_ =	sfence  }
0xb9: {  	s30 =	sld [smem:$0x0];
	_ =	sdelay $0x2  }
0xba: {  	s31 =	sshll.u32 s1, $0xD;
	s1 =	sshrl.u32 s1, $0x2  }
0xbb: {  	s3 =	sand.u32 $0x4000, s31;
	s1 =	sadd.s32 s1, s30  }
0xbc: {  	s0 =	sor.u32 s3, s0;
	s1 =	sshll.u32 s1, $0x11  }
0xbd: {  	s0 =	sor.u32 s1, s0  }
0xbe: {  	s0 =	sadd.s32 $0x8F2B, s0  }
0xbf: {  	[sflag:s0] =	ssyncadd.remote.s32 $0x1  }
0xc0: {  	_ =	sfence.sel $0xFFFF  }
0xc1: {  	[dreg:$0x0] =	wrdreg $0xFFFFFFFF;
	(pc) =	sbr.abs _section_cstart, $3  }
0xc2: {  	[dreg:$0x1] =	wrdreg $0xFFFFFFFF  }
0xc3: {  	_ =	task.clear_ibuf [dreg:s8], $0x2FFFF;
	_ =	strace $0x9FFFFFFF  }
0xc4: {  	(tm) =	ssettm $0x7FFFFFFF  }
0xc5: {  	_ =	shalt  }
tec
execute0_lowered:
.L_overlay_start_1:
0x0: {  	(tag) =	ssettag $0x1  }
0x1: {  	s1 =	rddreg [dreg:$0x0]  }
0x2: {  	s0 =	rddreg [dreg:$0x1]  }
0x3: {  	s3 =	rddreg [dreg:$0x2]  }
0x4: {  	s2 =	simm.s32 $0x0;
	s4 =	srdreg.scid;
	s11 =	stileid.u32  }
0x5: {  	s15 =	simm.s32 $0x5;
	s16 =	simm.s32 $0x1000;
	s17 =	simm.s32 $0x1800  }
0x6: {  	s14 =	simm.s32 $0xB800;
	s18 =	simm.s32 $0xC000;
	s19 =	simm.s32 $0xC800  }
0x7: {  	s31 =	simm.s32 $0x3;
	[smem:$0x7FF] =	sst s2;
	s6 =	sand.u32 $0x1, s4  }
0x8: {  	s4 =	sadd.s32 $0x400, s0;
	s8 =	sshll.u32 s11, $0x6;
	s13 =	smul.u32 $0x2C0000, s11  }
0x9: {  	s12 =	sadd.s32 $0x600, s0;
	s25 =	smul.u32 $0x58000, s11;
	s11 =	sadd.s32 $0x580, s0  }
0xa: {  	_ =	strace $0x80000047;
	s5 =	ssub.s32 $0x2, s6;
	s23 =	smul.u32 $0x160000, s6  }
0xb: {  	s9 =	sshll.u32 s6, $0x5;
	s6 =	smul.u32 $0x2C000, s6;
	s7 =	sshrl.u32 s5, $0x1  }
0xc: {  	s21 =	sor.u32 s9, s8;
	s9 =	sadd.s32 $0x480, s0;
	s28 =	sadd.s32 s25, s12  }
0xd: {  	s25 =	simm.s32 $0x2;
	s10 =	ssub.s32 s5, s7;
	s22 =	sxor.u32 $0x3E8, s21  }
0xe: {  	s8 =	sshll.u32 s21, $0x4;
	s7 =	sadd.s32 $0x100, s1;
	s26 =	sadd.s32 s23, s13  }
0xf: {  	s13 =	simm.s32 $0xB000;
	s23 =	simm.s32 $0x16800;
	s5 =	smin.u32 s22, $0x20  }
0x10: {  	s3 =	sadd.s32 s3, s8;
	s24 =	smax.u32 s10, $0x1;
	s10 =	sadd.s32 $0x500, s0  }
0x11: {  	s0 =	sshrl.u32 s26, $0x3;
	s22 =	simm.s32 $0x16000;
	[dreg:$0x4] =	wrdreg s3  }
.Ltmp0:
0x12: {  	s8 =	simm.s32 $0x16400;
	[dreg:$0x5] =	wrdreg s24;
	(pc) =	sbr.rel .LBB2_1-.Ltmp0, $4  }
0x13: {  	s29 =	sshll.u32 s5, $0x9;
	s3 =	sadd.s32 s6, s28;
	s0 =	sadd.s32 s0, s12  }
0x14: {  	v2 =	vlaneseq.u32;
	s24 =	simm.s32 $0x1;
	s6 =	simm.s32 $0xCC00;
	[dreg:$0x6] =	wrdreg s29  }
0x15: {  	vm0 =	vmmov $0xffff;
	v1 =	vshrl.u32 v2, $0x3;
	s12 =	simm.s32 $0x16C00;
	[dreg:$0x7] =	wrdreg s0;
	s30 =	sadd.s32 $0x1600, s3  }
0x16: {  	v0 =	vand.u32 $0x7, v2;
	v2 =	vor.u32 $0x8, v2;
	v1 =	vmul.u32 $0x8, v1;
	s0 =	simm.s32 $0x4;
	s3 =	simm.s32 $0x0;
	[dreg:$0x8] =	wrdreg s30  }
.LBB2_5:
0x17: {  	s3 =	rddreg [dreg:$0x9]  }
0x18: {  	s20 =	rddreg [dreg:$0x5];
	s3 =	sadd.s32 $0x1, s3  }
0x19: {  	p0 =	sne.s32 s3, s20  }
.Ltmp1:
0x1a: {  	_ = 	snop;
	(pc) =	sbr.rel @!p0 .LBB2_6-.Ltmp1, $1  }
0x1b: {  	_ =	sdelay $0x3  }
.LBB2_1:
0x1c: {  	[dreg:$0x9] =	wrdreg s3  }
0x1d: {  	s20 =	rddreg [dreg:$0x4]  }
0x1e: {  	[tilespmem:s2], [sflag:$0x5] =	stream.linear.gather [hbm4b:s20+s2], $0x1000, $0x38;
	[tilespmem:$0x17000] =	vst v63  }
0x1f: {  	_ =	swait.ge [sflag:s15], $0x1000  }
0x20: {  	[sflag:s15] =	ssyncset.done $0x0  }
0x21: {  	[sflag:s15] =	ssyncadd.s32 $0xFFFFF000  }
0x22: {  	v3 =	vld [tilespmem:$0x0];
	_ =	sdelay $0x4  }
0x23: {  	v4 =	vshll.u32 v3, $0x2  }
0x24: {  	v3 =	vand.u32 $0x7, v3;
	v4 =	vand.u32 $0xFFFFFFE0, v4  }
0x25: {  	v3 =	vor.u32 v3, v4  }
0x26: {  	v4 =	vperm.xlane v3, v0;
	_ =	sdelay $0x1  }
0x27: {  	v4 =	vadd.s32 v1, v4;
	_ =	sdelay $0x1  }
0x28: {  	v3 =	vperm.xlane v3, v2;
	_ =	sdelay $0x1  }
0x29: {  	v3 =	vadd.s32 v1, v3  }
0x2a: {  	[tilespmem:s16], [sflag:$0x1] =	stream.indirect_vreg.gather [hbm4b:s1+s2], $0x80, v4, vm0, $0xb8;
	[tilespmem:$0x17000] =	vst v63  }
0x2b: {  	_ = 	snop  }
0x2c: {  	[tilespmem:s17], [sflag:$0x1] =	stream.indirect_vreg.gather [hbm4b:s7+s2], $0x80, v4, vm0, $0xb8;
	[tilespmem:$0x17000] =	vst v63  }
0x2d: {  	s26 =	simm.s32 $0x2000  }
0x2e: {  	[tilespmem:s26], [sflag:$0x1] =	stream.indirect_vreg.gather [hbm4b:s1+s2], $0x80, v3, vm0, $0xb8;
	[tilespmem:$0x17000] =	vst v63  }
0x2f: {  	s30 =	simm.s32 $0x2800  }
0x30: {  	[tilespmem:s30], [sflag:$0x1] =	stream.indirect_vreg.gather [hbm4b:s7+s2], $0x80, v3, vm0, $0xb8;
	[tilespmem:$0x17000] =	vst v63  }
0x31: {  	v3 =	vld [tilespmem:$0x10];
	_ =	sdelay $0x4  }
0x32: {  	v59 =	vshll.u32 v3, $0x2  }
0x33: {  	v3 =	vand.u32 $0x7, v3;
	v4 =	vand.u32 $0xFFFFFFE0, v59  }
0x34: {  	v3 =	vor.u32 v3, v4  }
0x35: {  	v4 =	vperm.xlane v3, v0;
	_ =	sdelay $0x1  }
0x36: {  	v4 =	vadd.s32 v1, v4;
	_ =	sdelay $0x1  }
0x37: {  	v3 =	vperm.xlane v3, v2;
	_ =	sdelay $0x1  }
0x38: {  	s3 =	simm.s32 $0x3000;
	v3 =	vadd.s32 v1, v3  }
0x39: {  	[tilespmem:s3], [sflag:$0x1] =	stream.indirect_vreg.gather [hbm4b:s1+s2], $0x80, v4, vm0, $0xb8;
	[tilespmem:$0x17000] =	vst v63  }
0x3a: {  	s21 =	simm.s32 $0x3800  }
0x3b: {  	[tilespmem:s21], [sflag:$0x1] =	stream.indirect_vreg.gather [hbm4b:s7+s2], $0x80, v4, vm0, $0xb8;
	[tilespmem:$0x17000] =	vst v63  }
0x3c: {  	s26 =	simm.s32 $0x4000  }
0x3d: {  	[tilespmem:s26], [sflag:$0x1] =	stream.indirect_vreg.gather [hbm4b:s1+s2], $0x80, v3, vm0, $0xb8;
	[tilespmem:$0x17000] =	vst v63  }
0x3e: {  	s30 =	simm.s32 $0x4800  }
0x3f: {  	[tilespmem:s30], [sflag:$0x1] =	stream.indirect_vreg.gather [hbm4b:s7+s2], $0x80, v3, vm0, $0xb8;
	[tilespmem:$0x17000] =	vst v63  }
0x40: {  	v3 =	vld [tilespmem:$0x20];
	_ =	sdelay $0x4  }
0x41: {  	v60 =	vshll.u32 v3, $0x2  }
0x42: {  	v3 =	vand.u32 $0x7, v3;
	v4 =	vand.u32 $0xFFFFFFE0, v60  }
0x43: {  	v3 =	vor.u32 v3, v4  }
0x44: {  	v4 =	vperm.xlane v3, v0;
	_ =	sdelay $0x1  }
0x45: {  	v4 =	vadd.s32 v1, v4;
	_ =	sdelay $0x1  }
0x46: {  	v3 =	vperm.xlane v3, v2;
	_ =	sdelay $0x1  }
0x47: {  	s3 =	simm.s32 $0x5000;
	v3 =	vadd.s32 v1, v3  }
0x48: {  	[tilespmem:s3], [sflag:$0x1] =	stream.indirect_vreg.gather [hbm4b:s1+s2], $0x80, v4, vm0, $0xb8;
	[tilespmem:$0x17000] =	vst v63  }
0x49: {  	s21 =	simm.s32 $0x5800  }
0x4a: {  	[tilespmem:s21], [sflag:$0x1] =	stream.indirect_vreg.gather [hbm4b:s7+s2], $0x80, v4, vm0, $0xb8;
	[tilespmem:$0x17000] =	vst v63  }
0x4b: {  	s26 =	simm.s32 $0x6000  }
0x4c: {  	[tilespmem:s26], [sflag:$0x1] =	stream.indirect_vreg.gather [hbm4b:s1+s2], $0x80, v3, vm0, $0xb8;
	[tilespmem:$0x17000] =	vst v63  }
0x4d: {  	s30 =	simm.s32 $0x6800  }
0x4e: {  	[tilespmem:s30], [sflag:$0x1] =	stream.indirect_vreg.gather [hbm4b:s7+s2], $0x80, v3, vm0, $0xb8;
	[tilespmem:$0x17000] =	vst v63  }
0x4f: {  	v3 =	vld [tilespmem:$0x30];
	_ =	sdelay $0x4  }
0x50: {  	v61 =	vshll.u32 v3, $0x2  }
0x51: {  	v3 =	vand.u32 $0x7, v3;
	v4 =	vand.u32 $0xFFFFFFE0, v61  }
0x52: {  	v3 =	vor.u32 v3, v4  }
0x53: {  	v4 =	vperm.xlane v3, v0;
	_ =	sdelay $0x1  }
0x54: {  	v4 =	vadd.s32 v1, v4;
	_ =	sdelay $0x1  }
0x55: {  	v3 =	vperm.xlane v3, v2;
	_ =	sdelay $0x1  }
0x56: {  	s3 =	simm.s32 $0x7000;
	v3 =	vadd.s32 v1, v3  }
0x57: {  	[tilespmem:s3], [sflag:$0x2] =	stream.indirect_vreg.gather [hbm4b:s1+s2], $0x80, v4, vm0, $0xb8;
	[tilespmem:$0x17000] =	vst v63  }
0x58: {  	s21 =	simm.s32 $0x7800  }
0x59: {  	[tilespmem:s21], [sflag:$0x2] =	stream.indirect_vreg.gather [hbm4b:s7+s2], $0x80, v4, vm0, $0xb8;
	[tilespmem:$0x17000] =	vst v63  }
0x5a: {  	s26 =	simm.s32 $0x8000  }
0x5b: {  	[tilespmem:s26], [sflag:$0x2] =	stream.indirect_vreg.gather [hbm4b:s1+s2], $0x80, v3, vm0, $0xb8;
	[tilespmem:$0x17000] =	vst v63  }
0x5c: {  	s30 =	simm.s32 $0x8800  }
0x5d: {  	[tilespmem:s30], [sflag:$0x2] =	stream.indirect_vreg.gather [hbm4b:s7+s2], $0x80, v3, vm0, $0xb8;
	[tilespmem:$0x17000] =	vst v63  }
0x5e: {  	v3 =	vld [tilespmem:$0x40];
	_ =	sdelay $0x4  }
0x5f: {  	v62 =	vshll.u32 v3, $0x2  }
0x60: {  	v3 =	vand.u32 $0x7, v3;
	v4 =	vand.u32 $0xFFFFFFE0, v62  }
0x61: {  	v3 =	vor.u32 v3, v4  }
0x62: {  	v4 =	vperm.xlane v3, v0;
	_ =	sdelay $0x1  }
0x63: {  	v4 =	vadd.s32 v1, v4;
	_ =	sdelay $0x1  }
0x64: {  	v3 =	vperm.xlane v3, v2;
	_ =	sdelay $0x1  }
0x65: {  	s3 =	simm.s32 $0x9000;
	v3 =	vadd.s32 v1, v3  }
0x66: {  	[tilespmem:s3], [sflag:$0x2] =	stream.indirect_vreg.gather [hbm4b:s1+s2], $0x80, v4, vm0, $0xb8;
	[tilespmem:$0x17000] =	vst v63  }
0x67: {  	s21 =	simm.s32 $0x9800  }
0x68: {  	[tilespmem:s21], [sflag:$0x2] =	stream.indirect_vreg.gather [hbm4b:s7+s2], $0x80, v4, vm0, $0xb8;
	[tilespmem:$0x17000] =	vst v63  }
0x69: {  	s26 =	simm.s32 $0xA000  }
0x6a: {  	[tilespmem:s26], [sflag:$0x2] =	stream.indirect_vreg.gather [hbm4b:s1+s2], $0x80, v3, vm0, $0xb8;
	[tilespmem:$0x17000] =	vst v63  }
0x6b: {  	s30 =	simm.s32 $0xA800  }
0x6c: {  	[tilespmem:s30], [sflag:$0x2] =	stream.indirect_vreg.gather [hbm4b:s7+s2], $0x80, v3, vm0, $0xb8;
	[tilespmem:$0x17000] =	vst v63  }
0x6d: {  	v3 =	vld.msk [tilespmem:$0x50], $0xff;
	_ =	sdelay $0x4  }
0x6e: {  	v63 =	vshll.u32 v3, $0x2  }
0x6f: {  	v3 =	vand.u32 $0x7, v3;
	v4 =	vand.u32 $0xFFFFFFE0, v63  }
0x70: {  	v3 =	vor.u32 v3, v4  }
0x71: {  	v3 =	vperm.xlane v3, v0;
	_ =	sdelay $0x1  }
0x72: {  	v3 =	vadd.s32 v1, v3;
	_ =	sdelay $0x2  }
.Ltmp2:
0x73: {  	s29 =	rddreg [dreg:$0x6];
	(pc) =	sbr.rel .LBB2_2-.Ltmp2, $4  }
0x74: {  	s21 =	rddreg [dreg:$0x8]  }
0x75: {  	[tilespmem:s13], [sflag:$0x2] =	stream.indirect_vreg.gather [hbm4b:s1+s2], $0x80, v3, vm0, $0xb8;
	[tilespmem:$0x17000] =	vst v63  }
0x76: {  	s28 =	simm.s32 $0x2;
	s20 =	simm.s32 $0xB0;
	s26 =	rddreg [dreg:$0x7]  }
0x77: {  	[tilespmem:s14], [sflag:$0x2] =	stream.indirect_vreg.gather [hbm4b:s7+s2], $0x80, v3, vm0, $0xb8;
	[tilespmem:$0x17000] =	vst v63  }
.LBB2_4:
0x78: {  	_ =	swait.ge [sflag:s31], $0x6000  }
0x79: {  	[sflag:s31] =	ssyncset.done $0x0  }
0x7a: {  	[sflag:s31] =	ssyncadd.s32 $0xFFFFA000  }
0x7b: {  	_ =	swait.ge [sflag:s0], $0x5000  }
0x7c: {  	[sflag:s0] =	ssyncset.done $0x0  }
0x7d: {  	[sflag:s0] =	ssyncadd.s32 $0xFFFFB000  }
0x7e: {  	[tilespmem:s18], [sflag:$0x5] =	stream.linear.gather [hbm4b:s4+s2], $0x280, $0x38;
	[tilespmem:$0x17000] =	vst v63  }
0x7f: {  	s3 =	simm.s32 $0xC400  }
0x80: {  	[tilespmem:s3], [sflag:$0x5] =	stream.linear.gather [hbm4b:s9+s2], $0x280, $0x38;
	[tilespmem:$0x17000] =	vst v63  }
0x81: {  	_ = 	snop  }
0x82: {  	[tilespmem:s19], [sflag:$0x5] =	stream.linear.gather [hbm4b:s10+s2], $0x280, $0x38;
	[tilespmem:$0x17000] =	vst v63  }
0x83: {  	_ = 	snop  }
0x84: {  	[tilespmem:s6], [sflag:$0x5] =	stream.linear.gather [hbm4b:s11+s2], $0x280, $0x38;
	[tilespmem:$0x17000] =	vst v63  }
0x85: {  	_ =	swait.ge [sflag:s15], $0xA00  }
0x86: {  	[sflag:s15] =	ssyncset.done $0x0  }
0x87: {  	[sflag:s15] =	ssyncadd.s32 $0xFFFFF600  }
0x88: {  	[hbm4b:s21+s2] =	stream.linear.scatter [tilespmem:s18], [sflag:$0x5], $0xA000, $0x38;
	[tilespmem:$0x17000] =	vst v63  }
0x89: {  	_ =	swait.ge [sflag:s15], $0xA000  }
0x8a: {  	[sflag:s15] =	ssyncset.done $0x0  }
0x8b: {  	s30 =	sadd.s32 $0x1400, s21;
	[sflag:s15] =	ssyncadd.s32 $0xFFFF6000  }
0x8c: {  	[hbm4b:s30+s2] =	stream.linear.scatter [tilespmem:s22], [sflag:$0x5], $0x100, $0x38;
	[tilespmem:$0x17000] =	vst v63  }
0x8d: {  	s29 =	sadd.s32 $0xFFFFFC00, s29;
	s3 =	sadd.s32 $0x1480, s21  }
0x8e: {  	[hbm4b:s3+s2] =	stream.linear.scatter [tilespmem:s8], [sflag:$0x5], $0x100, $0x38;
	[tilespmem:$0x17000] =	vst v63  }
0x8f: {  	p0 =	sne.s32 s29, $0x0;
	s3 =	sadd.s32 $0x1500, s21  }
0x90: {  	[hbm4b:s3+s2] =	stream.linear.scatter [tilespmem:s23], [sflag:$0x5], $0x100, $0x38;
	[tilespmem:$0x17000] =	vst v63  }
.Ltmp3:
0x91: {  	s3 =	sadd.s32 $0x1580, s21;
	(pc) =	sbr.rel @!p0 .LBB2_5-.Ltmp3, $4  }
0x92: {  	[hbm4b:s3+s2] =	stream.linear.scatter [tilespmem:s12], [sflag:$0x5], $0x100, $0x38;
	[tilespmem:$0x17000] =	vst v63  }
0x93: {  	_ =	swait.ge [sflag:s15], $0x400  }
0x94: {  	s28 =	sadd.s32 $0x2, s28;
	s26 =	sadd.s32 $0x2C00, s26;
	[sflag:s15] =	ssyncset.done $0x0  }
0x95: {  	s20 =	sadd.s32 $0x100, s20;
	s21 =	sadd.s32 $0x2C00, s21;
	[sflag:s15] =	ssyncadd.s32 $0xFFFFFC00  }
.LBB2_2:
0x96: {  	v3 =	vld [tilespmem:s20+$0xFFFFFFD0];
	_ =	sdelay $0x4  }
0x97: {  	v4 =	vshll.u32 v3, $0x2  }
0x98: {  	v3 =	vand.u32 $0x7, v3;
	v4 =	vand.u32 $0xFFFFFFE0, v4  }
0x99: {  	v3 =	vor.u32 v3, v4  }
0x9a: {  	v4 =	vperm.xlane v3, v0;
	_ =	sdelay $0x1  }
0x9b: {  	v4 =	vadd.s32 v1, v4;
	_ =	sdelay $0x1  }
0x9c: {  	v3 =	vperm.xlane v3, v2;
	_ =	sdelay $0x1  }
0x9d: {  	v3 =	vadd.s32 v1, v3  }
0x9e: {  	[tilespmem:s18], [sflag:$0x3] =	stream.indirect_vreg.gather [hbm4b:s1+s2], $0x80, v4, vm0, $0xb8;
	[tilespmem:$0x17000] =	vst v63  }
0x9f: {  	_ = 	snop  }
0xa0: {  	[tilespmem:s19], [sflag:$0x3] =	stream.indirect_vreg.gather [hbm4b:s7+s2], $0x80, v4, vm0, $0xb8;
	[tilespmem:$0x17000] =	vst v63  }
0xa1: {  	s30 =	simm.s32 $0xD000  }
0xa2: {  	[tilespmem:s30], [sflag:$0x3] =	stream.indirect_vreg.gather [hbm4b:s1+s2], $0x80, v3, vm0, $0xb8;
	[tilespmem:$0x17000] =	vst v63  }
0xa3: {  	s3 =	simm.s32 $0xD800  }
0xa4: {  	[tilespmem:s3], [sflag:$0x3] =	stream.indirect_vreg.gather [hbm4b:s7+s2], $0x80, v3, vm0, $0xb8;
	[tilespmem:$0x17000] =	vst v63  }
0xa5: {  	v3 =	vld [tilespmem:s20+$0xFFFFFFE0];
	_ =	sdelay $0x4  }
0xa6: {  	v59 =	vshll.u32 v3, $0x2  }
0xa7: {  	v3 =	vand.u32 $0x7, v3;
	v4 =	vand.u32 $0xFFFFFFE0, v59  }
0xa8: {  	v3 =	vor.u32 v3, v4  }
0xa9: {  	v4 =	vperm.xlane v3, v0;
	_ =	sdelay $0x1  }
0xaa: {  	v4 =	vadd.s32 v1, v4;
	_ =	sdelay $0x1  }
0xab: {  	v3 =	vperm.xlane v3, v2;
	_ =	sdelay $0x1  }
0xac: {  	s3 =	simm.s32 $0xE000;
	v3 =	vadd.s32 v1, v3  }
0xad: {  	[tilespmem:s3], [sflag:$0x3] =	stream.indirect_vreg.gather [hbm4b:s1+s2], $0x80, v4, vm0, $0xb8;
	[tilespmem:$0x17000] =	vst v63  }
0xae: {  	s3 =	simm.s32 $0xE800  }
0xaf: {  	[tilespmem:s3], [sflag:$0x3] =	stream.indirect_vreg.gather [hbm4b:s7+s2], $0x80, v4, vm0, $0xb8;
	[tilespmem:$0x17000] =	vst v63  }
0xb0: {  	s3 =	simm.s32 $0xF000  }
0xb1: {  	[tilespmem:s3], [sflag:$0x3] =	stream.indirect_vreg.gather [hbm4b:s1+s2], $0x80, v3, vm0, $0xb8;
	[tilespmem:$0x17000] =	vst v63  }
0xb2: {  	s3 =	simm.s32 $0xF800  }
0xb3: {  	[tilespmem:s3], [sflag:$0x3] =	stream.indirect_vreg.gather [hbm4b:s7+s2], $0x80, v3, vm0, $0xb8;
	[tilespmem:$0x17000] =	vst v63  }
0xb4: {  	v3 =	vld [tilespmem:s20+$0xFFFFFFF0];
	_ =	sdelay $0x4  }
0xb5: {  	v60 =	vshll.u32 v3, $0x2  }
0xb6: {  	v3 =	vand.u32 $0x7, v3;
	v4 =	vand.u32 $0xFFFFFFE0, v60  }
0xb7: {  	v3 =	vor.u32 v3, v4  }
0xb8: {  	v4 =	vperm.xlane v3, v0;
	_ =	sdelay $0x1  }
0xb9: {  	v4 =	vadd.s32 v1, v4;
	_ =	sdelay $0x1  }
0xba: {  	v3 =	vperm.xlane v3, v2;
	_ =	sdelay $0x1  }
0xbb: {  	s3 =	simm.s32 $0x10000;
	v3 =	vadd.s32 v1, v3  }
0xbc: {  	[tilespmem:s3], [sflag:$0x3] =	stream.indirect_vreg.gather [hbm4b:s1+s2], $0x80, v4, vm0, $0xb8;
	[tilespmem:$0x17000] =	vst v63  }
0xbd: {  	s3 =	simm.s32 $0x10800  }
0xbe: {  	[tilespmem:s3], [sflag:$0x3] =	stream.indirect_vreg.gather [hbm4b:s7+s2], $0x80, v4, vm0, $0xb8;
	[tilespmem:$0x17000] =	vst v63  }
0xbf: {  	s3 =	simm.s32 $0x11000  }
0xc0: {  	[tilespmem:s3], [sflag:$0x3] =	stream.indirect_vreg.gather [hbm4b:s1+s2], $0x80, v3, vm0, $0xb8;
	[tilespmem:$0x17000] =	vst v63  }
0xc1: {  	s3 =	simm.s32 $0x11800  }
0xc2: {  	[tilespmem:s3], [sflag:$0x3] =	stream.indirect_vreg.gather [hbm4b:s7+s2], $0x80, v3, vm0, $0xb8;
	[tilespmem:$0x17000] =	vst v63  }
0xc3: {  	v3 =	vld [tilespmem:s20+$0x0];
	_ =	sdelay $0x4  }
0xc4: {  	v61 =	vshll.u32 v3, $0x2  }
0xc5: {  	v3 =	vand.u32 $0x7, v3;
	v4 =	vand.u32 $0xFFFFFFE0, v61  }
0xc6: {  	v3 =	vor.u32 v3, v4  }
0xc7: {  	v4 =	vperm.xlane v3, v0;
	_ =	sdelay $0x1  }
0xc8: {  	v4 =	vadd.s32 v1, v4;
	_ =	sdelay $0x1  }
0xc9: {  	v3 =	vperm.xlane v3, v2;
	_ =	sdelay $0x1  }
0xca: {  	s3 =	simm.s32 $0x12000;
	v3 =	vadd.s32 v1, v3  }
0xcb: {  	[tilespmem:s3], [sflag:$0x4] =	stream.indirect_vreg.gather [hbm4b:s1+s2], $0x80, v4, vm0, $0xb8;
	[tilespmem:$0x17000] =	vst v63  }
0xcc: {  	s3 =	simm.s32 $0x12800  }
0xcd: {  	[tilespmem:s3], [sflag:$0x4] =	stream.indirect_vreg.gather [hbm4b:s7+s2], $0x80, v4, vm0, $0xb8;
	[tilespmem:$0x17000] =	vst v63  }
0xce: {  	s3 =	simm.s32 $0x13000  }
0xcf: {  	[tilespmem:s3], [sflag:$0x4] =	stream.indirect_vreg.gather [hbm4b:s1+s2], $0x80, v3, vm0, $0xb8;
	[tilespmem:$0x17000] =	vst v63  }
0xd0: {  	s3 =	simm.s32 $0x13800  }
0xd1: {  	[tilespmem:s3], [sflag:$0x4] =	stream.indirect_vreg.gather [hbm4b:s7+s2], $0x80, v3, vm0, $0xb8;
	[tilespmem:$0x17000] =	vst v63  }
0xd2: {  	v3 =	vld [tilespmem:s20+$0x10];
	_ =	sdelay $0x4  }
0xd3: {  	v62 =	vshll.u32 v3, $0x2  }
0xd4: {  	v3 =	vand.u32 $0x7, v3;
	v4 =	vand.u32 $0xFFFFFFE0, v62  }
0xd5: {  	v3 =	vor.u32 v3, v4  }
0xd6: {  	v4 =	vperm.xlane v3, v0;
	_ =	sdelay $0x1  }
0xd7: {  	v4 =	vadd.s32 v1, v4;
	_ =	sdelay $0x1  }
0xd8: {  	v3 =	vperm.xlane v3, v2;
	_ =	sdelay $0x1  }
0xd9: {  	s3 =	simm.s32 $0x14000;
	v3 =	vadd.s32 v1, v3  }
0xda: {  	[tilespmem:s3], [sflag:$0x4] =	stream.indirect_vreg.gather [hbm4b:s1+s2], $0x80, v4, vm0, $0xb8;
	[tilespmem:$0x17000] =	vst v63  }
0xdb: {  	s3 =	simm.s32 $0x14800  }
0xdc: {  	[tilespmem:s3], [sflag:$0x4] =	stream.indirect_vreg.gather [hbm4b:s7+s2], $0x80, v4, vm0, $0xb8;
	[tilespmem:$0x17000] =	vst v63  }
0xdd: {  	s3 =	simm.s32 $0x15000  }
0xde: {  	[tilespmem:s3], [sflag:$0x4] =	stream.indirect_vreg.gather [hbm4b:s1+s2], $0x80, v3, vm0, $0xb8;
	[tilespmem:$0x17000] =	vst v63  }
0xdf: {  	s3 =	simm.s32 $0x15800  }
0xe0: {  	[tilespmem:s3], [sflag:$0x4] =	stream.indirect_vreg.gather [hbm4b:s7+s2], $0x80, v3, vm0, $0xb8;
	[tilespmem:$0x17000] =	vst v63  }
0xe1: {  	v3 =	vld.msk [tilespmem:s20+$0x20], $0xff;
	_ =	sdelay $0x4  }
0xe2: {  	v63 =	vshll.u32 v3, $0x2  }
0xe3: {  	v3 =	vand.u32 $0x7, v3;
	v4 =	vand.u32 $0xFFFFFFE0, v63  }
0xe4: {  	v3 =	vor.u32 v3, v4  }
0xe5: {  	v3 =	vperm.xlane v3, v0;
	_ =	sdelay $0x1  }
0xe6: {  	v3 =	vadd.s32 v1, v3;
	_ =	sdelay $0x4  }
0xe7: {  	[tilespmem:s22], [sflag:$0x4] =	stream.indirect_vreg.gather [hbm4b:s1+s2], $0x80, v3, vm0, $0xb8;
	[tilespmem:$0x17000] =	vst v63  }
0xe8: {  	_ = 	snop  }
0xe9: {  	[tilespmem:s23], [sflag:$0x4] =	stream.indirect_vreg.gather [hbm4b:s7+s2], $0x80, v3, vm0, $0xb8;
	[tilespmem:$0x17000] =	vst v63  }
0xea: {  	_ =	swait.ge [sflag:s24], $0x6000  }
0xeb: {  	[sflag:s24] =	ssyncset.done $0x0  }
0xec: {  	[sflag:s24] =	ssyncadd.s32 $0xFFFFA000  }
0xed: {  	_ =	swait.ge [sflag:s25], $0x5000  }
0xee: {  	[sflag:s25] =	ssyncset.done $0x0  }
0xef: {  	[sflag:s25] =	ssyncadd.s32 $0xFFFFB000  }
0xf0: {  	[tilespmem:s16], [sflag:$0x5] =	stream.linear.gather [hbm4b:s4+s2], $0x280, $0x38;
	[tilespmem:$0x17000] =	vst v63  }
0xf1: {  	s3 =	simm.s32 $0x1400  }
0xf2: {  	[tilespmem:s3], [sflag:$0x5] =	stream.linear.gather [hbm4b:s9+s2], $0x280, $0x38;
	[tilespmem:$0x17000] =	vst v63  }
0xf3: {  	_ = 	snop  }
0xf4: {  	[tilespmem:s17], [sflag:$0x5] =	stream.linear.gather [hbm4b:s10+s2], $0x280, $0x38;
	[tilespmem:$0x17000] =	vst v63  }
0xf5: {  	s3 =	simm.s32 $0x1C00  }
0xf6: {  	[tilespmem:s3], [sflag:$0x5] =	stream.linear.gather [hbm4b:s11+s2], $0x280, $0x38;
	[tilespmem:$0x17000] =	vst v63  }
0xf7: {  	_ =	swait.ge [sflag:s15], $0xA00  }
0xf8: {  	[sflag:s15] =	ssyncset.done $0x0  }
0xf9: {  	[sflag:s15] =	ssyncadd.s32 $0xFFFFF600  }
0xfa: {  	[hbm4b:s26+s2] =	stream.linear.scatter [tilespmem:s16], [sflag:$0x5], $0xA000, $0x38;
	[tilespmem:$0x17000] =	vst v63  }
0xfb: {  	_ =	swait.ge [sflag:s15], $0xA000  }
0xfc: {  	[sflag:s15] =	ssyncset.done $0x0  }
0xfd: {  	s3 =	sadd.s32 $0x1400, s26;
	[sflag:s15] =	ssyncadd.s32 $0xFFFF6000  }
0xfe: {  	[hbm4b:s3+s2] =	stream.linear.scatter [tilespmem:s13], [sflag:$0x5], $0x100, $0x38;
	[tilespmem:$0x17000] =	vst v63  }
0xff: {  	s30 =	sadd.s32 $0x1480, s26;
	s3 =	simm.s32 $0xB400  }
0x100: {  	[hbm4b:s30+s2] =	stream.linear.scatter [tilespmem:s3], [sflag:$0x5], $0x100, $0x38;
	[tilespmem:$0x17000] =	vst v63  }
0x101: {  	p0 =	sge.u32 s28, s5;
	s3 =	sadd.s32 $0x1500, s26  }
0x102: {  	[hbm4b:s3+s2] =	stream.linear.scatter [tilespmem:s14], [sflag:$0x5], $0x100, $0x38;
	[tilespmem:$0x17000] =	vst v63  }
.Ltmp4:
0x103: {  	s30 =	sadd.s32 $0x1580, s26;
	s3 =	simm.s32 $0xBC00;
	(pc) =	sbr.rel @p0 .LBB2_4-.Ltmp4, $4  }
0x104: {  	[hbm4b:s30+s2] =	stream.linear.scatter [tilespmem:s3], [sflag:$0x5], $0x100, $0x38;
	[tilespmem:$0x17000] =	vst v63  }
0x105: {  	_ =	swait.ge [sflag:s15], $0x400  }
0x106: {  	[sflag:s15] =	ssyncset.done $0x0  }
0x107: {  	[sflag:s15] =	ssyncadd.s32 $0xFFFFFC00  }
0x108: {  	v3 =	vld [tilespmem:s20+$0x50];
	_ =	sdelay $0x4  }
0x109: {  	v4 =	vshll.u32 v3, $0x2  }
0x10a: {  	v3 =	vand.u32 $0x7, v3;
	v4 =	vand.u32 $0xFFFFFFE0, v4  }
0x10b: {  	v3 =	vor.u32 v3, v4  }
0x10c: {  	v4 =	vperm.xlane v3, v0;
	_ =	sdelay $0x1  }
0x10d: {  	v4 =	vadd.s32 v1, v4;
	_ =	sdelay $0x1  }
0x10e: {  	v3 =	vperm.xlane v3, v2;
	_ =	sdelay $0x1  }
0x10f: {  	v3 =	vadd.s32 v1, v3  }
0x110: {  	[tilespmem:s16], [sflag:$0x1] =	stream.indirect_vreg.gather [hbm4b:s1+s2], $0x80, v4, vm0, $0xb8;
	[tilespmem:$0x17000] =	vst v63  }
0x111: {  	_ = 	snop  }
0x112: {  	[tilespmem:s17], [sflag:$0x1] =	stream.indirect_vreg.gather [hbm4b:s7+s2], $0x80, v4, vm0, $0xb8;
	[tilespmem:$0x17000] =	vst v63  }
0x113: {  	s30 =	simm.s32 $0x2000  }
0x114: {  	[tilespmem:s30], [sflag:$0x1] =	stream.indirect_vreg.gather [hbm4b:s1+s2], $0x80, v3, vm0, $0xb8;
	[tilespmem:$0x17000] =	vst v63  }
0x115: {  	s3 =	simm.s32 $0x2800  }
0x116: {  	[tilespmem:s3], [sflag:$0x1] =	stream.indirect_vreg.gather [hbm4b:s7+s2], $0x80, v3, vm0, $0xb8;
	[tilespmem:$0x17000] =	vst v63  }
0x117: {  	v3 =	vld [tilespmem:s20+$0x60];
	_ =	sdelay $0x4  }
0x118: {  	v59 =	vshll.u32 v3, $0x2  }
0x119: {  	v3 =	vand.u32 $0x7, v3;
	v4 =	vand.u32 $0xFFFFFFE0, v59  }
0x11a: {  	v3 =	vor.u32 v3, v4  }
0x11b: {  	v4 =	vperm.xlane v3, v0;
	_ =	sdelay $0x1  }
0x11c: {  	v4 =	vadd.s32 v1, v4;
	_ =	sdelay $0x1  }
0x11d: {  	v3 =	vperm.xlane v3, v2;
	_ =	sdelay $0x1  }
0x11e: {  	s3 =	simm.s32 $0x3000;
	v3 =	vadd.s32 v1, v3  }
0x11f: {  	[tilespmem:s3], [sflag:$0x1] =	stream.indirect_vreg.gather [hbm4b:s1+s2], $0x80, v4, vm0, $0xb8;
	[tilespmem:$0x17000] =	vst v63  }
0x120: {  	s3 =	simm.s32 $0x3800  }
0x121: {  	[tilespmem:s3], [sflag:$0x1] =	stream.indirect_vreg.gather [hbm4b:s7+s2], $0x80, v4, vm0, $0xb8;
	[tilespmem:$0x17000] =	vst v63  }
0x122: {  	s3 =	simm.s32 $0x4000  }
0x123: {  	[tilespmem:s3], [sflag:$0x1] =	stream.indirect_vreg.gather [hbm4b:s1+s2], $0x80, v3, vm0, $0xb8;
	[tilespmem:$0x17000] =	vst v63  }
0x124: {  	s3 =	simm.s32 $0x4800  }
0x125: {  	[tilespmem:s3], [sflag:$0x1] =	stream.indirect_vreg.gather [hbm4b:s7+s2], $0x80, v3, vm0, $0xb8;
	[tilespmem:$0x17000] =	vst v63  }
0x126: {  	v3 =	vld [tilespmem:s20+$0x70];
	_ =	sdelay $0x4  }
0x127: {  	v60 =	vshll.u32 v3, $0x2  }
0x128: {  	v3 =	vand.u32 $0x7, v3;
	v4 =	vand.u32 $0xFFFFFFE0, v60  }
0x129: {  	v3 =	vor.u32 v3, v4  }
0x12a: {  	v4 =	vperm.xlane v3, v0;
	_ =	sdelay $0x1  }
0x12b: {  	v4 =	vadd.s32 v1, v4;
	_ =	sdelay $0x1  }
0x12c: {  	v3 =	vperm.xlane v3, v2;
	_ =	sdelay $0x1  }
0x12d: {  	s3 =	simm.s32 $0x5000;
	v3 =	vadd.s32 v1, v3  }
0x12e: {  	[tilespmem:s3], [sflag:$0x1] =	stream.indirect_vreg.gather [hbm4b:s1+s2], $0x80, v4, vm0, $0xb8;
	[tilespmem:$0x17000] =	vst v63  }
0x12f: {  	s3 =	simm.s32 $0x5800  }
0x130: {  	[tilespmem:s3], [sflag:$0x1] =	stream.indirect_vreg.gather [hbm4b:s7+s2], $0x80, v4, vm0, $0xb8;
	[tilespmem:$0x17000] =	vst v63  }
0x131: {  	s3 =	simm.s32 $0x6000  }
0x132: {  	[tilespmem:s3], [sflag:$0x1] =	stream.indirect_vreg.gather [hbm4b:s1+s2], $0x80, v3, vm0, $0xb8;
	[tilespmem:$0x17000] =	vst v63  }
0x133: {  	s3 =	simm.s32 $0x6800  }
0x134: {  	[tilespmem:s3], [sflag:$0x1] =	stream.indirect_vreg.gather [hbm4b:s7+s2], $0x80, v3, vm0, $0xb8;
	[tilespmem:$0x17000] =	vst v63  }
0x135: {  	v3 =	vld [tilespmem:s20+$0x80];
	_ =	sdelay $0x4  }
0x136: {  	v61 =	vshll.u32 v3, $0x2  }
0x137: {  	v3 =	vand.u32 $0x7, v3;
	v4 =	vand.u32 $0xFFFFFFE0, v61  }
0x138: {  	v3 =	vor.u32 v3, v4  }
0x139: {  	v4 =	vperm.xlane v3, v0;
	_ =	sdelay $0x1  }
0x13a: {  	v4 =	vadd.s32 v1, v4;
	_ =	sdelay $0x1  }
0x13b: {  	v3 =	vperm.xlane v3, v2;
	_ =	sdelay $0x1  }
0x13c: {  	s3 =	simm.s32 $0x7000;
	v3 =	vadd.s32 v1, v3  }
0x13d: {  	[tilespmem:s3], [sflag:$0x2] =	stream.indirect_vreg.gather [hbm4b:s1+s2], $0x80, v4, vm0, $0xb8;
	[tilespmem:$0x17000] =	vst v63  }
0x13e: {  	s3 =	simm.s32 $0x7800  }
0x13f: {  	[tilespmem:s3], [sflag:$0x2] =	stream.indirect_vreg.gather [hbm4b:s7+s2], $0x80, v4, vm0, $0xb8;
	[tilespmem:$0x17000] =	vst v63  }
0x140: {  	s3 =	simm.s32 $0x8000  }
0x141: {  	[tilespmem:s3], [sflag:$0x2] =	stream.indirect_vreg.gather [hbm4b:s1+s2], $0x80, v3, vm0, $0xb8;
	[tilespmem:$0x17000] =	vst v63  }
0x142: {  	s3 =	simm.s32 $0x8800  }
0x143: {  	[tilespmem:s3], [sflag:$0x2] =	stream.indirect_vreg.gather [hbm4b:s7+s2], $0x80, v3, vm0, $0xb8;
	[tilespmem:$0x17000] =	vst v63  }
0x144: {  	v3 =	vld [tilespmem:s20+$0x90];
	_ =	sdelay $0x4  }
0x145: {  	v62 =	vshll.u32 v3, $0x2  }
0x146: {  	v3 =	vand.u32 $0x7, v3;
	v4 =	vand.u32 $0xFFFFFFE0, v62  }
0x147: {  	v3 =	vor.u32 v3, v4  }
0x148: {  	v4 =	vperm.xlane v3, v0;
	_ =	sdelay $0x1  }
0x149: {  	v4 =	vadd.s32 v1, v4;
	_ =	sdelay $0x1  }
0x14a: {  	v3 =	vperm.xlane v3, v2;
	_ =	sdelay $0x1  }
0x14b: {  	s3 =	simm.s32 $0x9000;
	v3 =	vadd.s32 v1, v3  }
0x14c: {  	[tilespmem:s3], [sflag:$0x2] =	stream.indirect_vreg.gather [hbm4b:s1+s2], $0x80, v4, vm0, $0xb8;
	[tilespmem:$0x17000] =	vst v63  }
0x14d: {  	s3 =	simm.s32 $0x9800  }
0x14e: {  	[tilespmem:s3], [sflag:$0x2] =	stream.indirect_vreg.gather [hbm4b:s7+s2], $0x80, v4, vm0, $0xb8;
	[tilespmem:$0x17000] =	vst v63  }
0x14f: {  	s3 =	simm.s32 $0xA000  }
0x150: {  	[tilespmem:s3], [sflag:$0x2] =	stream.indirect_vreg.gather [hbm4b:s1+s2], $0x80, v3, vm0, $0xb8;
	[tilespmem:$0x17000] =	vst v63  }
0x151: {  	s3 =	simm.s32 $0xA800  }
0x152: {  	[tilespmem:s3], [sflag:$0x2] =	stream.indirect_vreg.gather [hbm4b:s7+s2], $0x80, v3, vm0, $0xb8;
	[tilespmem:$0x17000] =	vst v63  }
0x153: {  	v3 =	vld.msk [tilespmem:s20+$0xA0], $0xff;
	_ =	sdelay $0x4  }
0x154: {  	v63 =	vshll.u32 v3, $0x2  }
0x155: {  	v3 =	vand.u32 $0x7, v3;
	v4 =	vand.u32 $0xFFFFFFE0, v63  }
0x156: {  	v3 =	vor.u32 v3, v4  }
0x157: {  	v3 =	vperm.xlane v3, v0;
	_ =	sdelay $0x1  }
0x158: {  	v3 =	vadd.s32 v1, v3;
	_ =	sdelay $0x2  }
.Ltmp5:
0x159: {  	_ = 	snop;
	(pc) =	sbr.rel .LBB2_4-.Ltmp5, $4  }
0x15a: {  	_ = 	snop  }
0x15b: {  	[tilespmem:s13], [sflag:$0x2] =	stream.indirect_vreg.gather [hbm4b:s1+s2], $0x80, v3, vm0, $0xb8;
	[tilespmem:$0x17000] =	vst v63  }
0x15c: {  	_ = 	snop  }
0x15d: {  	[tilespmem:s14], [sflag:$0x2] =	stream.indirect_vreg.gather [hbm4b:s7+s2], $0x80, v3, vm0, $0xb8;
	[tilespmem:$0x17000] =	vst v63  }
.LBB2_6:
0x15e: {  	_ =	sfence.sel $0x180000  }
0x15f: {  	[bflag:$0x0] =	sbarrier.arrive $0xFFFF  }
0x160: {  	_ =	strace $0x90000047  }
0x161: {  	s0 =	stileid.u32;
	[bflag:$0x2] =	sbarrier.arrive $0xFFFF  }
0x162: {  	p0 =	sne.s32 s0, $0x0;
	s0 =	rddreg [dreg:$0x3]  }
0x163: {  	s0 =	sadd.s32 @!p0 $0x100000, s0  }
0x164: {  	[sflag:s0] =	ssyncadd.tile.s32 @!p0 $0x1;
	_ =	shalt  }
.Lfunc_end2:
_tile_overlayer_lowered:
.L_overlay_start_2:
0x165: {  	(tag) =	ssettag $0x2  }
0x166: {  	s0 =	rddreg [dreg:$0x0];
	s2 =	stileid.u32  }
0x167: {  	s1 =	rddreg [dreg:$0x1];
	p0 =	sne.s32 s2, $0x0  }
0x168: {  	s3 =	rddreg [dreg:$0x2];
	[bflag:$0x3] =	sbarrier.arrive $0xFFFF;
	s2 =	simm.s32 @!p0 $0x1C05  }
0x169: {  	[timem:s3], [sflag:s2] =	dma.local @!p0 [hbm:s0], s1  }
0x16a: {  	s0 =	simm.s32 @!p0 $0x5  }
0x16b: {  	_ =	swait.ge @!p0 [sflag:s0], s1  }
0x16c: {  	s1 =	ssub.s32 @!p0 $0x0, s1;
	[sflag:s0] =	ssyncset.done @!p0 $0x0  }
0x16d: {  	[sflag:s0] =	ssyncadd.s32 @!p0 s1  }
0x16e: {  	[bflag:$0x3] =	sbarrier.arrive $0xFFFF  }
0x16f: {  	_ =	shalt  }

</sc_bundles>
